<compile_context>
chip_gen: v7x
topology: tpu7x:2x2x1
jax: 0.10.2.dev20260603
libtpu: 0.0.44.dev20260713+nightly
codegen_flags: <defaults>
</compile_context>

<pallas_src>
import functools

import jax
import jax.numpy as jnp
from jax import lax
from jax.experimental import pallas as pl
from jax.experimental.pallas import tpu as pltpu
from jax.experimental.pallas import tpu_sc as plsc

_VOCAB = 100000
_D = 16
_B = 16384
_NC = 2
_NS = 16
_NW = _NC * _NS
_BPW = _B // _NW
_REC = 1 + _D


@functools.partial(
    pl.kernel,
    mesh=plsc.VectorSubcoreMesh(core_axis_name="c", subcore_axis_name="s"),
    out_type=jax.ShapeDtypeStruct((_REC, _B), jnp.float32),
    compiler_params=pltpu.CompilerParams(use_tc_tiling_on_sc=False),
    scratch_types=[
        pltpu.VMEM((_BPW,), jnp.int32),
        pltpu.VMEM((_REC, _BPW), jnp.float32),
        pltpu.SemaphoreType.DMA,
        pltpu.SemaphoreType.DMA,
    ],
)
def _emb_concat(pitch_hbm, idx_hbm, tab_t_hbm, out_hbm, idx_v, out_v, sem,
                osem):
    wid = lax.axis_index("s") * _NC + lax.axis_index("c")
    base = wid * _BPW
    pltpu.sync_copy(idx_hbm.at[pl.ds(base, _BPW)], idx_v)
    gathers = [
        pltpu.async_copy(tab_t_hbm.at[c].at[idx_v], out_v.at[1 + c], sem)
        for c in range(_D)
    ]
    pltpu.sync_copy(pitch_hbm.at[pl.ds(base, _BPW)], out_v.at[0])
    writes = [
        pltpu.async_copy(out_v.at[0], out_hbm.at[0, pl.ds(base, _BPW)], osem)
    ]
    for c in range(_D):
        gathers[c].wait()
        writes.append(
            pltpu.async_copy(out_v.at[1 + c],
                             out_hbm.at[1 + c, pl.ds(base, _BPW)], osem))
    for w in writes:
        w.wait()


def kernel(pitch, timbre_id, table):
    return _emb_concat(pitch, timbre_id, table.T).T

# --- scband reference (transcript-rebuilt; emitter-appended) ---
"""Pipeline reference for scband-timbre-embedding-19138374271711 (READ-ONLY COPY).

The authoritative reference and input builder live on the scoring server;
editing this copy changes nothing except your own understanding.
"""

import jax, jax.numpy as jnp
import numpy as np

VOCAB = 100000
EMBED_DIM = 16
BATCH = 16384

def setup_inputs(seed: int = 0) -> dict:
    key = jax.random.key(seed)
    k1, k2, k3 = jax.random.split(key, 3)
    pitch = jax.random.normal(k1, (BATCH,), dtype=jnp.float32)
    timbre_id = jax.random.randint(k2, (BATCH,), 0, VOCAB, dtype=jnp.int32)
    table = jax.random.normal(k3, (VOCAB, EMBED_DIM), dtype=jnp.float32) * 0.05
    return {"pitch": pitch, "timbre_id": timbre_id, "table": table}

def reference(pitch, timbre_id, table):
    # emb = self.embedding(timbre_id)
    emb = jnp.take(table, timbre_id, axis=0)
    # cond = tf.concat([pitch[:, None], emb], axis=-1)
    cond = jnp.concatenate([pitch[:, None], emb], axis=-1)
    return cond

if __name__ == "__main__":
    import jax
    _d = setup_inputs()
    print(jax.jit(kernel)(*tuple(_d.values())))

</pallas_src>

<mosaic_0001>
#map = affine_map<(d0, d1) -> (0)>
#map1 = affine_map<(d0, d1) -> (0, 0)>
module attributes {stable_mosaic.version = 14 : i64} {
  func.func @_emb_concat(%arg0: i32, %arg1: i32, %arg2: memref<16384xf32, #tpu.memory_space<hbm>>, %arg3: memref<16384xi32, #tpu.memory_space<hbm>>, %arg4: memref<16x100000xf32, #tpu.memory_space<hbm>>, %arg5: memref<17x16384xf32, #tpu.memory_space<hbm>>, %arg6: memref<512xi32, #tpu.memory_space<vmem>>, %arg7: memref<17x512xf32, #tpu.memory_space<vmem>>, %arg8: memref<!tpu.dma_semaphore, #tpu.memory_space<semaphore_mem>>, %arg9: memref<!tpu.dma_semaphore, #tpu.memory_space<semaphore_mem>>) attributes {dimension_semantics = [#tpu.dimension_semantics<core_parallel>, #tpu.dimension_semantics<subcore_parallel>], iteration_bounds = array<i64: 2, 16>, scalar_prefetch = 0 : i64, scratch_operands = 4 : i64, tpu.core_type = #tpu.core_type<sc_vector_subcore>, window_params = [{transform_indices = #map}, {transform_indices = #map}, {transform_indices = #map1}, {transform_indices = #map1}]} {
    %mul3A = arith.constant 2 : i32
    %mul3A_0 = arith.muli %arg1, %mul3A : i32
    %add3A = arith.addi %mul3A_0, %arg0 : i32
    %mul3A_1 = arith.constant 512 : i32
    %mul3A_2 = arith.muli %add3A, %mul3A_1 : i32
    "tpu.region"() ({
      %run_scoped3A_729 = tpu.sem_alloc : memref<!tpu.dma_semaphore, #tpu.memory_space<semaphore_mem>>
      %dma_start3A_730 = tpu.memref_slice %arg3[%mul3A_2] : memref<16384xi32, #tpu.memory_space<hbm>> -> memref<512xi32, #tpu.memory_space<hbm>>
      %dma_start3A_731 = tpu.memref_slice %arg3[%mul3A_2] : memref<16384xi32, #tpu.memory_space<hbm>> -> memref<512xi32, #tpu.memory_space<hbm>>
      tpu.enqueue_dma source(%dma_start3A_731 : memref<512xi32, #tpu.memory_space<hbm>>) target(%arg6 : memref<512xi32, #tpu.memory_space<vmem>>) target_semaphore(%run_scoped3A_729 : memref<!tpu.dma_semaphore, #tpu.memory_space<semaphore_mem>>)
      %dma_wait3A_732 = tpu.memref_slice %arg3[%mul3A_2] : memref<16384xi32, #tpu.memory_space<hbm>> -> memref<512xi32, #tpu.memory_space<hbm>>
      %dma_wait3A_733 = tpu.memref_slice %arg3[%mul3A_2] : memref<16384xi32, #tpu.memory_space<hbm>> -> memref<512xi32, #tpu.memory_space<hbm>>
      tpu.wait_dma2 semaphore(%run_scoped3A_729 : memref<!tpu.dma_semaphore, #tpu.memory_space<semaphore_mem>>) src(%dma_wait3A_733 : memref<512xi32, #tpu.memory_space<hbm>>) dst(%arg6 : memref<512xi32, #tpu.memory_space<vmem>>)
      tpu.yield
    }) : () -> ()
    %dma_start3A = arith.constant 0 : i32
    %dma_start3A_3 = arith.constant 1 : i32
    %dma_start3A_4 = arith.constant 0 : i32
    %dma_start3A_5 = tpu.memref_slice %arg7[%dma_start3A_3, %dma_start3A_4] : memref<17x512xf32, #tpu.memory_space<vmem>> -> memref<1x512xf32, #tpu.memory_space<vmem>>
    %dma_start3A_6 = tpu.memref_squeeze %dma_start3A_5 : memref<1x512xf32, #tpu.memory_space<vmem>> -> memref<512xf32, #tpu.memory_space<vmem>>
    %dma_start3A_7 = arith.constant 0 : i32
    %dma_start3A_8 = tpu.memref_slice %arg4[%dma_start3A, %dma_start3A_7] : memref<16x100000xf32, #tpu.memory_space<hbm>> -> memref<1x100000xf32, #tpu.memory_space<hbm>>
    %dma_start3A_9 = tpu.memref_squeeze %dma_start3A_8 : memref<1x100000xf32, #tpu.memory_space<hbm>> -> memref<100000xf32, #tpu.memory_space<hbm>>
    %dma_start3A_10 = arith.constant 0 : i32
    %dma_start3A_11 = tpu.memref_slice %dma_start3A_9[%dma_start3A_10] : memref<100000xf32, #tpu.memory_space<hbm>> -> memref<100000xf32, #tpu.memory_space<hbm>>
    tpu.enqueue_indirect_dma source(%dma_start3A_11 : memref<100000xf32, #tpu.memory_space<hbm>>) target(%dma_start3A_6 : memref<512xf32, #tpu.memory_space<vmem>>) offsets(%arg6 : memref<512xi32, #tpu.memory_space<vmem>>) semaphore(%arg8 : memref<!tpu.dma_semaphore, #tpu.memory_space<semaphore_mem>>)
    %dma_start3A_12 = arith.constant 1 : i32
    %dma_start3A_13 = arith.constant 2 : i32
    %dma_start3A_14 = arith.constant 0 : i32
    %dma_start3A_15 = tpu.memref_slice %arg7[%dma_start3A_13, %dma_start3A_14] : memref<17x512xf32, #tpu.memory_space<vmem>> -> memref<1x512xf32, #tpu.memory_space<vmem>>
    %dma_start3A_16 = tpu.memref_squeeze %dma_start3A_15 : memref<1x512xf32, #tpu.memory_space<vmem>> -> memref<512xf32, #tpu.memory_space<vmem>>
    %dma_start3A_17 = arith.constant 0 : i32
    %dma_start3A_18 = tpu.memref_slice %arg4[%dma_start3A_12, %dma_start3A_17] : memref<16x100000xf32, #tpu.memory_space<hbm>> -> memref<1x100000xf32, #tpu.memory_space<hbm>>
    %dma_start3A_19 = tpu.memref_squeeze %dma_start3A_18 : memref<1x100000xf32, #tpu.memory_space<hbm>> -> memref<100000xf32, #tpu.memory_space<hbm>>
    %dma_start3A_20 = arith.constant 0 : i32
    %dma_start3A_21 = tpu.memref_slice %dma_start3A_19[%dma_start3A_20] : memref<100000xf32, #tpu.memory_space<hbm>> -> memref<100000xf32, #tpu.memory_space<hbm>>
    tpu.enqueue_indirect_dma source(%dma_start3A_21 : memref<100000xf32, #tpu.memory_space<hbm>>) target(%dma_start3A_16 : memref<512xf32, #tpu.memory_space<vmem>>) offsets(%arg6 : memref<512xi32, #tpu.memory_space<vmem>>) semaphore(%arg8 : memref<!tpu.dma_semaphore, #tpu.memory_space<semaphore_mem>>)
    %dma_start3A_22 = arith.constant 2 : i32
    %dma_start3A_23 = arith.constant 3 : i32
    %dma_start3A_24 = arith.constant 0 : i32
    %dma_start3A_25 = tpu.memref_slice %arg7[%dma_start3A_23, %dma_start3A_24] : memref<17x512xf32, #tpu.memory_space<vmem>> -> memref<1x512xf32, #tpu.memory_space<vmem>>
    %dma_start3A_26 = tpu.memref_squeeze %dma_start3A_25 : memref<1x512xf32, #tpu.memory_space<vmem>> -> memref<512xf32, #tpu.memory_space<vmem>>
    %dma_start3A_27 = arith.constant 0 : i32
    %dma_start3A_28 = tpu.memref_slice %arg4[%dma_start3A_22, %dma_start3A_27] : memref<16x100000xf32, #tpu.memory_space<hbm>> -> memref<1x100000xf32, #tpu.memory_space<hbm>>
    %dma_start3A_29 = tpu.memref_squeeze %dma_start3A_28 : memref<1x100000xf32, #tpu.memory_space<hbm>> -> memref<100000xf32, #tpu.memory_space<hbm>>
    %dma_start3A_30 = arith.constant 0 : i32
    %dma_start3A_31 = tpu.memref_slice %dma_start3A_29[%dma_start3A_30] : memref<100000xf32, #tpu.memory_space<hbm>> -> memref<100000xf32, #tpu.memory_space<hbm>>
    tpu.enqueue_indirect_dma source(%dma_start3A_31 : memref<100000xf32, #tpu.memory_space<hbm>>) target(%dma_start3A_26 : memref<512xf32, #tpu.memory_space<vmem>>) offsets(%arg6 : memref<512xi32, #tpu.memory_space<vmem>>) semaphore(%arg8 : memref<!tpu.dma_semaphore, #tpu.memory_space<semaphore_mem>>)
    %dma_start3A_32 = arith.constant 3 : i32
    %dma_start3A_33 = arith.constant 4 : i32
    %dma_start3A_34 = arith.constant 0 : i32
    %dma_start3A_35 = tpu.memref_slice %arg7[%dma_start3A_33, %dma_start3A_34] : memref<17x512xf32, #tpu.memory_space<vmem>> -> memref<1x512xf32, #tpu.memory_space<vmem>>
    %dma_start3A_36 = tpu.memref_squeeze %dma_start3A_35 : memref<1x512xf32, #tpu.memory_space<vmem>> -> memref<512xf32, #tpu.memory_space<vmem>>
    %dma_start3A_37 = arith.constant 0 : i32
    %dma_start3A_38 = tpu.memref_slice %arg4[%dma_start3A_32, %dma_start3A_37] : memref<16x100000xf32, #tpu.memory_space<hbm>> -> memref<1x100000xf32, #tpu.memory_space<hbm>>
    %dma_start3A_39 = tpu.memref_squeeze %dma_start3A_38 : memref<1x100000xf32, #tpu.memory_space<hbm>> -> memref<100000xf32, #tpu.memory_space<hbm>>
    %dma_start3A_40 = arith.constant 0 : i32
    %dma_start3A_41 = tpu.memref_slice %dma_start3A_39[%dma_start3A_40] : memref<100000xf32, #tpu.memory_space<hbm>> -> memref<100000xf32, #tpu.memory_space<hbm>>
    tpu.enqueue_indirect_dma source(%dma_start3A_41 : memref<100000xf32, #tpu.memory_space<hbm>>) target(%dma_start3A_36 : memref<512xf32, #tpu.memory_space<vmem>>) offsets(%arg6 : memref<512xi32, #tpu.memory_space<vmem>>) semaphore(%arg8 : memref<!tpu.dma_semaphore, #tpu.memory_space<semaphore_mem>>)
    %dma_start3A_42 = arith.constant 4 : i32
    %dma_start3A_43 = arith.constant 5 : i32
    %dma_start3A_44 = arith.constant 0 : i32
    %dma_start3A_45 = tpu.memref_slice %arg7[%dma_start3A_43, %dma_start3A_44] : memref<17x512xf32, #tpu.memory_space<vmem>> -> memref<1x512xf32, #tpu.memory_space<vmem>>
    %dma_start3A_46 = tpu.memref_squeeze %dma_start3A_45 : memref<1x512xf32, #tpu.memory_space<vmem>> -> memref<512xf32, #tpu.memory_space<vmem>>
    %dma_start3A_47 = arith.constant 0 : i32
    %dma_start3A_48 = tpu.memref_slice %arg4[%dma_start3A_42, %dma_start3A_47] : memref<16x100000xf32, #tpu.memory_space<hbm>> -> memref<1x100000xf32, #tpu.memory_space<hbm>>
    %dma_start3A_49 = tpu.memref_squeeze %dma_start3A_48 : memref<1x100000xf32, #tpu.memory_space<hbm>> -> memref<100000xf32, #tpu.memory_space<hbm>>
    %dma_start3A_50 = arith.constant 0 : i32
    %dma_start3A_51 = tpu.memref_slice %dma_start3A_49[%dma_start3A_50] : memref<100000xf32, #tpu.memory_space<hbm>> -> memref<100000xf32, #tpu.memory_space<hbm>>
    tpu.enqueue_indirect_dma source(%dma_start3A_51 : memref<100000xf32, #tpu.memory_space<hbm>>) target(%dma_start3A_46 : memref<512xf32, #tpu.memory_space<vmem>>) offsets(%arg6 : memref<512xi32, #tpu.memory_space<vmem>>) semaphore(%arg8 : memref<!tpu.dma_semaphore, #tpu.memory_space<semaphore_mem>>)
    %dma_start3A_52 = arith.constant 5 : i32
    %dma_start3A_53 = arith.constant 6 : i32
    %dma_start3A_54 = arith.constant 0 : i32
    %dma_start3A_55 = tpu.memref_slice %arg7[%dma_start3A_53, %dma_start3A_54] : memref<17x512xf32, #tpu.memory_space<vmem>> -> memref<1x512xf32, #tpu.memory_space<vmem>>
    %dma_start3A_56 = tpu.memref_squeeze %dma_start3A_55 : memref<1x512xf32, #tpu.memory_space<vmem>> -> memref<512xf32, #tpu.memory_space<vmem>>
    %dma_start3A_57 = arith.constant 0 : i32
    %dma_start3A_58 = tpu.memref_slice %arg4[%dma_start3A_52, %dma_start3A_57] : memref<16x100000xf32, #tpu.memory_space<hbm>> -> memref<1x100000xf32, #tpu.memory_space<hbm>>
    %dma_start3A_59 = tpu.memref_squeeze %dma_start3A_58 : memref<1x100000xf32, #tpu.memory_space<hbm>> -> memref<100000xf32, #tpu.memory_space<hbm>>
    %dma_start3A_60 = arith.constant 0 : i32
    %dma_start3A_61 = tpu.memref_slice %dma_start3A_59[%dma_start3A_60] : memref<100000xf32, #tpu.memory_space<hbm>> -> memref<100000xf32, #tpu.memory_space<hbm>>
    tpu.enqueue_indirect_dma source(%dma_start3A_61 : memref<100000xf32, #tpu.memory_space<hbm>>) target(%dma_start3A_56 : memref<512xf32, #tpu.memory_space<vmem>>) offsets(%arg6 : memref<512xi32, #tpu.memory_space<vmem>>) semaphore(%arg8 : memref<!tpu.dma_semaphore, #tpu.memory_space<semaphore_mem>>)
    %dma_start3A_62 = arith.constant 6 : i32
    %dma_start3A_63 = arith.constant 7 : i32
    %dma_start3A_64 = arith.constant 0 : i32
    %dma_start3A_65 = tpu.memref_slice %arg7[%dma_start3A_63, %dma_start3A_64] : memref<17x512xf32, #tpu.memory_space<vmem>> -> memref<1x512xf32, #tpu.memory_space<vmem>>
    %dma_start3A_66 = tpu.memref_squeeze %dma_start3A_65 : memref<1x512xf32, #tpu.memory_space<vmem>> -> memref<512xf32, #tpu.memory_space<vmem>>
    %dma_start3A_67 = arith.constant 0 : i32
    %dma_start3A_68 = tpu.memref_slice %arg4[%dma_start3A_62, %dma_start3A_67] : memref<16x100000xf32, #tpu.memory_space<hbm>> -> memref<1x100000xf32, #tpu.memory_space<hbm>>
    %dma_start3A_69 = tpu.memref_squeeze %dma_start3A_68 : memref<1x100000xf32, #tpu.memory_space<hbm>> -> memref<100000xf32, #tpu.memory_space<hbm>>
    %dma_start3A_70 = arith.constant 0 : i32
    %dma_start3A_71 = tpu.memref_slice %dma_start3A_69[%dma_start3A_70] : memref<100000xf32, #tpu.memory_space<hbm>> -> memref<100000xf32, #tpu.memory_space<hbm>>
    tpu.enqueue_indirect_dma source(%dma_start3A_71 : memref<100000xf32, #tpu.memory_space<hbm>>) target(%dma_start3A_66 : memref<512xf32, #tpu.memory_space<vmem>>) offsets(%arg6 : memref<512xi32, #tpu.memory_space<vmem>>) semaphore(%arg8 : memref<!tpu.dma_semaphore, #tpu.memory_space<semaphore_mem>>)
    %dma_start3A_72 = arith.constant 7 : i32
    %dma_start3A_73 = arith.constant 8 : i32
    %dma_start3A_74 = arith.constant 0 : i32
    %dma_start3A_75 = tpu.memref_slice %arg7[%dma_start3A_73, %dma_start3A_74] : memref<17x512xf32, #tpu.memory_space<vmem>> -> memref<1x512xf32, #tpu.memory_space<vmem>>
    %dma_start3A_76 = tpu.memref_squeeze %dma_start3A_75 : memref<1x512xf32, #tpu.memory_space<vmem>> -> memref<512xf32, #tpu.memory_space<vmem>>
    %dma_start3A_77 = arith.constant 0 : i32
    %dma_start3A_78 = tpu.memref_slice %arg4[%dma_start3A_72, %dma_start3A_77] : memref<16x100000xf32, #tpu.memory_space<hbm>> -> memref<1x100000xf32, #tpu.memory_space<hbm>>
    %dma_start3A_79 = tpu.memref_squeeze %dma_start3A_78 : memref<1x100000xf32, #tpu.memory_space<hbm>> -> memref<100000xf32, #tpu.memory_space<hbm>>
    %dma_start3A_80 = arith.constant 0 : i32
    %dma_start3A_81 = tpu.memref_slice %dma_start3A_79[%dma_start3A_80] : memref<100000xf32, #tpu.memory_space<hbm>> -> memref<100000xf32, #tpu.memory_space<hbm>>
    tpu.enqueue_indirect_dma source(%dma_start3A_81 : memref<100000xf32, #tpu.memory_space<hbm>>) target(%dma_start3A_76 : memref<512xf32, #tpu.memory_space<vmem>>) offsets(%arg6 : memref<512xi32, #tpu.memory_space<vmem>>) semaphore(%arg8 : memref<!tpu.dma_semaphore, #tpu.memory_space<semaphore_mem>>)
    %dma_start3A_82 = arith.constant 8 : i32
    %dma_start3A_83 = arith.constant 9 : i32
    %dma_start3A_84 = arith.constant 0 : i32
    %dma_start3A_85 = tpu.memref_slice %arg7[%dma_start3A_83, %dma_start3A_84] : memref<17x512xf32, #tpu.memory_space<vmem>> -> memref<1x512xf32, #tpu.memory_space<vmem>>
    %dma_start3A_86 = tpu.memref_squeeze %dma_start3A_85 : memref<1x512xf32, #tpu.memory_space<vmem>> -> memref<512xf32, #tpu.memory_space<vmem>>
    %dma_start3A_87 = arith.constant 0 : i32
    %dma_start3A_88 = tpu.memref_slice %arg4[%dma_start3A_82, %dma_start3A_87] : memref<16x100000xf32, #tpu.memory_space<hbm>> -> memref<1x100000xf32, #tpu.memory_space<hbm>>
    %dma_start3A_89 = tpu.memref_squeeze %dma_start3A_88 : memref<1x100000xf32, #tpu.memory_space<hbm>> -> memref<100000xf32, #tpu.memory_space<hbm>>
    %dma_start3A_90 = arith.constant 0 : i32
    %dma_start3A_91 = tpu.memref_slice %dma_start3A_89[%dma_start3A_90] : memref<100000xf32, #tpu.memory_space<hbm>> -> memref<100000xf32, #tpu.memory_space<hbm>>
    tpu.enqueue_indirect_dma source(%dma_start3A_91 : memref<100000xf32, #tpu.memory_space<hbm>>) target(%dma_start3A_86 : memref<512xf32, #tpu.memory_space<vmem>>) offsets(%arg6 : memref<512xi32, #tpu.memory_space<vmem>>) semaphore(%arg8 : memref<!tpu.dma_semaphore, #tpu.memory_space<semaphore_mem>>)
    %dma_start3A_92 = arith.constant 9 : i32
    %dma_start3A_93 = arith.constant 10 : i32
    %dma_start3A_94 = arith.constant 0 : i32
    %dma_start3A_95 = tpu.memref_slice %arg7[%dma_start3A_93, %dma_start3A_94] : memref<17x512xf32, #tpu.memory_space<vmem>> -> memref<1x512xf32, #tpu.memory_space<vmem>>
    %dma_start3A_96 = tpu.memref_squeeze %dma_start3A_95 : memref<1x512xf32, #tpu.memory_space<vmem>> -> memref<512xf32, #tpu.memory_space<vmem>>
    %dma_start3A_97 = arith.constant 0 : i32
    %dma_start3A_98 = tpu.memref_slice %arg4[%dma_start3A_92, %dma_start3A_97] : memref<16x100000xf32, #tpu.memory_space<hbm>> -> memref<1x100000xf32, #tpu.memory_space<hbm>>
    %dma_start3A_99 = tpu.memref_squeeze %dma_start3A_98 : memref<1x100000xf32, #tpu.memory_space<hbm>> -> memref<100000xf32, #tpu.memory_space<hbm>>
    %dma_start3A_100 = arith.constant 0 : i32
    %dma_start3A_101 = tpu.memref_slice %dma_start3A_99[%dma_start3A_100] : memref<100000xf32, #tpu.memory_space<hbm>> -> memref<100000xf32, #tpu.memory_space<hbm>>
    tpu.enqueue_indirect_dma source(%dma_start3A_101 : memref<100000xf32, #tpu.memory_space<hbm>>) target(%dma_start3A_96 : memref<512xf32, #tpu.memory_space<vmem>>) offsets(%arg6 : memref<512xi32, #tpu.memory_space<vmem>>) semaphore(%arg8 : memref<!tpu.dma_semaphore, #tpu.memory_space<semaphore_mem>>)
    %dma_start3A_102 = arith.constant 10 : i32
    %dma_start3A_103 = arith.constant 11 : i32
    %dma_start3A_104 = arith.constant 0 : i32
    %dma_start3A_105 = tpu.memref_slice %arg7[%dma_start3A_103, %dma_start3A_104] : memref<17x512xf32, #tpu.memory_space<vmem>> -> memref<1x512xf32, #tpu.memory_space<vmem>>
    %dma_start3A_106 = tpu.memref_squeeze %dma_start3A_105 : memref<1x512xf32, #tpu.memory_space<vmem>> -> memref<512xf32, #tpu.memory_space<vmem>>
    %dma_start3A_107 = arith.constant 0 : i32
    %dma_start3A_108 = tpu.memref_slice %arg4[%dma_start3A_102, %dma_start3A_107] : memref<16x100000xf32, #tpu.memory_space<hbm>> -> memref<1x100000xf32, #tpu.memory_space<hbm>>
    %dma_start3A_109 = tpu.memref_squeeze %dma_start3A_108 : memref<1x100000xf32, #tpu.memory_space<hbm>> -> memref<100000xf32, #tpu.memory_space<hbm>>
    %dma_start3A_110 = arith.constant 0 : i32
    %dma_start3A_111 = tpu.memref_slice %dma_start3A_109[%dma_start3A_110] : memref<100000xf32, #tpu.memory_space<hbm>> -> memref<100000xf32, #tpu.memory_space<hbm>>
    tpu.enqueue_indirect_dma source(%dma_start3A_111 : memref<100000xf32, #tpu.memory_space<hbm>>) target(%dma_start3A_106 : memref<512xf32, #tpu.memory_space<vmem>>) offsets(%arg6 : memref<512xi32, #tpu.memory_space<vmem>>) semaphore(%arg8 : memref<!tpu.dma_semaphore, #tpu.memory_space<semaphore_mem>>)
    %dma_start3A_112 = arith.constant 11 : i32
    %dma_start3A_113 = arith.constant 12 : i32
    %dma_start3A_114 = arith.constant 0 : i32
    %dma_start3A_115 = tpu.memref_slice %arg7[%dma_start3A_113, %dma_start3A_114] : memref<17x512xf32, #tpu.memory_space<vmem>> -> memref<1x512xf32, #tpu.memory_space<vmem>>
    %dma_start3A_116 = tpu.memref_squeeze %dma_start3A_115 : memref<1x512xf32, #tpu.memory_space<vmem>> -> memref<512xf32, #tpu.memory_space<vmem>>
    %dma_start3A_117 = arith.constant 0 : i32
    %dma_start3A_118 = tpu.memref_slice %arg4[%dma_start3A_112, %dma_start3A_117] : memref<16x100000xf32, #tpu.memory_space<hbm>> -> memref<1x100000xf32, #tpu.memory_space<hbm>>
    %dma_start3A_119 = tpu.memref_squeeze %dma_start3A_118 : memref<1x100000xf32, #tpu.memory_space<hbm>> -> memref<100000xf32, #tpu.memory_space<hbm>>
    %dma_start3A_120 = arith.constant 0 : i32
    %dma_start3A_121 = tpu.memref_slice %dma_start3A_119[%dma_start3A_120] : memref<100000xf32, #tpu.memory_space<hbm>> -> memref<100000xf32, #tpu.memory_space<hbm>>
    tpu.enqueue_indirect_dma source(%dma_start3A_121 : memref<100000xf32, #tpu.memory_space<hbm>>) target(%dma_start3A_116 : memref<512xf32, #tpu.memory_space<vmem>>) offsets(%arg6 : memref<512xi32, #tpu.memory_space<vmem>>) semaphore(%arg8 : memref<!tpu.dma_semaphore, #tpu.memory_space<semaphore_mem>>)
    %dma_start3A_122 = arith.constant 12 : i32
    %dma_start3A_123 = arith.constant 13 : i32
    %dma_start3A_124 = arith.constant 0 : i32
    %dma_start3A_125 = tpu.memref_slice %arg7[%dma_start3A_123, %dma_start3A_124] : memref<17x512xf32, #tpu.memory_space<vmem>> -> memref<1x512xf32, #tpu.memory_space<vmem>>
    %dma_start3A_126 = tpu.memref_squeeze %dma_start3A_125 : memref<1x512xf32, #tpu.memory_space<vmem>> -> memref<512xf32, #tpu.memory_space<vmem>>
    %dma_start3A_127 = arith.constant 0 : i32
    %dma_start3A_128 = tpu.memref_slice %arg4[%dma_start3A_122, %dma_start3A_127] : memref<16x100000xf32, #tpu.memory_space<hbm>> -> memref<1x100000xf32, #tpu.memory_space<hbm>>
    %dma_start3A_129 = tpu.memref_squeeze %dma_start3A_128 : memref<1x100000xf32, #tpu.memory_space<hbm>> -> memref<100000xf32, #tpu.memory_space<hbm>>
    %dma_start3A_130 = arith.constant 0 : i32
    %dma_start3A_131 = tpu.memref_slice %dma_start3A_129[%dma_start3A_130] : memref<100000xf32, #tpu.memory_space<hbm>> -> memref<100000xf32, #tpu.memory_space<hbm>>
    tpu.enqueue_indirect_dma source(%dma_start3A_131 : memref<100000xf32, #tpu.memory_space<hbm>>) target(%dma_start3A_126 : memref<512xf32, #tpu.memory_space<vmem>>) offsets(%arg6 : memref<512xi32, #tpu.memory_space<vmem>>) semaphore(%arg8 : memref<!tpu.dma_semaphore, #tpu.memory_space<semaphore_mem>>)
    %dma_start3A_132 = arith.constant 13 : i32
    %dma_start3A_133 = arith.constant 14 : i32
    %dma_start3A_134 = arith.constant 0 : i32
    %dma_start3A_135 = tpu.memref_slice %arg7[%dma_start3A_133, %dma_start3A_134] : memref<17x512xf32, #tpu.memory_space<vmem>> -> memref<1x512xf32, #tpu.memory_space<vmem>>
    %dma_start3A_136 = tpu.memref_squeeze %dma_start3A_135 : memref<1x512xf32, #tpu.memory_space<vmem>> -> memref<512xf32, #tpu.memory_space<vmem>>
    %dma_start3A_137 = arith.constant 0 : i32
    %dma_start3A_138 = tpu.memref_slice %arg4[%dma_start3A_132, %dma_start3A_137] : memref<16x100000xf32, #tpu.memory_space<hbm>> -> memref<1x100000xf32, #tpu.memory_space<hbm>>
    %dma_start3A_139 = tpu.memref_squeeze %dma_start3A_138 : memref<1x100000xf32, #tpu.memory_space<hbm>> -> memref<100000xf32, #tpu.memory_space<hbm>>
    %dma_start3A_140 = arith.constant 0 : i32
    %dma_start3A_141 = tpu.memref_slice %dma_start3A_139[%dma_start3A_140] : memref<100000xf32, #tpu.memory_space<hbm>> -> memref<100000xf32, #tpu.memory_space<hbm>>
    tpu.enqueue_indirect_dma source(%dma_start3A_141 : memref<100000xf32, #tpu.memory_space<hbm>>) target(%dma_start3A_136 : memref<512xf32, #tpu.memory_space<vmem>>) offsets(%arg6 : memref<512xi32, #tpu.memory_space<vmem>>) semaphore(%arg8 : memref<!tpu.dma_semaphore, #tpu.memory_space<semaphore_mem>>)
    %dma_start3A_142 = arith.constant 14 : i32
    %dma_start3A_143 = arith.constant 15 : i32
    %dma_start3A_144 = arith.constant 0 : i32
    %dma_start3A_145 = tpu.memref_slice %arg7[%dma_start3A_143, %dma_start3A_144] : memref<17x512xf32, #tpu.memory_space<vmem>> -> memref<1x512xf32, #tpu.memory_space<vmem>>
    %dma_start3A_146 = tpu.memref_squeeze %dma_start3A_145 : memref<1x512xf32, #tpu.memory_space<vmem>> -> memref<512xf32, #tpu.memory_space<vmem>>
    %dma_start3A_147 = arith.constant 0 : i32
    %dma_start3A_148 = tpu.memref_slice %arg4[%dma_start3A_142, %dma_start3A_147] : memref<16x100000xf32, #tpu.memory_space<hbm>> -> memref<1x100000xf32, #tpu.memory_space<hbm>>
    %dma_start3A_149 = tpu.memref_squeeze %dma_start3A_148 : memref<1x100000xf32, #tpu.memory_space<hbm>> -> memref<100000xf32, #tpu.memory_space<hbm>>
    %dma_start3A_150 = arith.constant 0 : i32
    %dma_start3A_151 = tpu.memref_slice %dma_start3A_149[%dma_start3A_150] : memref<100000xf32, #tpu.memory_space<hbm>> -> memref<100000xf32, #tpu.memory_space<hbm>>
    tpu.enqueue_indirect_dma source(%dma_start3A_151 : memref<100000xf32, #tpu.memory_space<hbm>>) target(%dma_start3A_146 : memref<512xf32, #tpu.memory_space<vmem>>) offsets(%arg6 : memref<512xi32, #tpu.memory_space<vmem>>) semaphore(%arg8 : memref<!tpu.dma_semaphore, #tpu.memory_space<semaphore_mem>>)
    %dma_start3A_152 = arith.constant 15 : i32
    %dma_start3A_153 = arith.constant 16 : i32
    %dma_start3A_154 = arith.constant 0 : i32
    %dma_start3A_155 = tpu.memref_slice %arg7[%dma_start3A_153, %dma_start3A_154] : memref<17x512xf32, #tpu.memory_space<vmem>> -> memref<1x512xf32, #tpu.memory_space<vmem>>
    %dma_start3A_156 = tpu.memref_squeeze %dma_start3A_155 : memref<1x512xf32, #tpu.memory_space<vmem>> -> memref<512xf32, #tpu.memory_space<vmem>>
    %dma_start3A_157 = arith.constant 0 : i32
    %dma_start3A_158 = tpu.memref_slice %arg4[%dma_start3A_152, %dma_start3A_157] : memref<16x100000xf32, #tpu.memory_space<hbm>> -> memref<1x100000xf32, #tpu.memory_space<hbm>>
    %dma_start3A_159 = tpu.memref_squeeze %dma_start3A_158 : memref<1x100000xf32, #tpu.memory_space<hbm>> -> memref<100000xf32, #tpu.memory_space<hbm>>
    %dma_start3A_160 = arith.constant 0 : i32
    %dma_start3A_161 = tpu.memref_slice %dma_start3A_159[%dma_start3A_160] : memref<100000xf32, #tpu.memory_space<hbm>> -> memref<100000xf32, #tpu.memory_space<hbm>>
    tpu.enqueue_indirect_dma source(%dma_start3A_161 : memref<100000xf32, #tpu.memory_space<hbm>>) target(%dma_start3A_156 : memref<512xf32, #tpu.memory_space<vmem>>) offsets(%arg6 : memref<512xi32, #tpu.memory_space<vmem>>) semaphore(%arg8 : memref<!tpu.dma_semaphore, #tpu.memory_space<semaphore_mem>>)
    %run_scoped3A = arith.constant 0 : i32
    "tpu.region"() ({
      %run_scoped3A_729 = tpu.sem_alloc : memref<!tpu.dma_semaphore, #tpu.memory_space<semaphore_mem>>
      %dma_start3A_730 = arith.constant 0 : i32
      %dma_start3A_731 = tpu.memref_slice %arg7[%run_scoped3A, %dma_start3A_730] : memref<17x512xf32, #tpu.memory_space<vmem>> -> memref<1x512xf32, #tpu.memory_space<vmem>>
      %dma_start3A_732 = tpu.memref_squeeze %dma_start3A_731 : memref<1x512xf32, #tpu.memory_space<vmem>> -> memref<512xf32, #tpu.memory_space<vmem>>
      %dma_start3A_733 = tpu.memref_slice %arg2[%mul3A_2] : memref<16384xf32, #tpu.memory_space<hbm>> -> memref<512xf32, #tpu.memory_space<hbm>>
      %dma_start3A_734 = arith.constant 0 : i32
      %dma_start3A_735 = tpu.memref_slice %arg7[%run_scoped3A, %dma_start3A_734] : memref<17x512xf32, #tpu.memory_space<vmem>> -> memref<1x512xf32, #tpu.memory_space<vmem>>
      %dma_start3A_736 = tpu.memref_squeeze %dma_start3A_735 : memref<1x512xf32, #tpu.memory_space<vmem>> -> memref<512xf32, #tpu.memory_space<vmem>>
      %dma_start3A_737 = tpu.memref_slice %arg2[%mul3A_2] : memref<16384xf32, #tpu.memory_space<hbm>> -> memref<512xf32, #tpu.memory_space<hbm>>
      tpu.enqueue_dma source(%dma_start3A_737 : memref<512xf32, #tpu.memory_space<hbm>>) target(%dma_start3A_736 : memref<512xf32, #tpu.memory_space<vmem>>) target_semaphore(%run_scoped3A_729 : memref<!tpu.dma_semaphore, #tpu.memory_space<semaphore_mem>>)
      %dma_wait3A_738 = arith.constant 0 : i32
      %dma_wait3A_739 = tpu.memref_slice %arg7[%run_scoped3A, %dma_wait3A_738] : memref<17x512xf32, #tpu.memory_space<vmem>> -> memref<1x512xf32, #tpu.memory_space<vmem>>
      %dma_wait3A_740 = tpu.memref_squeeze %dma_wait3A_739 : memref<1x512xf32, #tpu.memory_space<vmem>> -> memref<512xf32, #tpu.memory_space<vmem>>
      %dma_wait3A_741 = tpu.memref_slice %arg2[%mul3A_2] : memref<16384xf32, #tpu.memory_space<hbm>> -> memref<512xf32, #tpu.memory_space<hbm>>
      %dma_wait3A_742 = arith.constant 0 : i32
      %dma_wait3A_743 = tpu.memref_slice %arg7[%run_scoped3A, %dma_wait3A_742] : memref<17x512xf32, #tpu.memory_space<vmem>> -> memref<1x512xf32, #tpu.memory_space<vmem>>
      %dma_wait3A_744 = tpu.memref_squeeze %dma_wait3A_743 : memref<1x512xf32, #tpu.memory_space<vmem>> -> memref<512xf32, #tpu.memory_space<vmem>>
      %dma_wait3A_745 = tpu.memref_slice %arg2[%mul3A_2] : memref<16384xf32, #tpu.memory_space<hbm>> -> memref<512xf32, #tpu.memory_space<hbm>>
      tpu.wait_dma2 semaphore(%run_scoped3A_729 : memref<!tpu.dma_semaphore, #tpu.memory_space<semaphore_mem>>) src(%dma_wait3A_745 : memref<512xf32, #tpu.memory_space<hbm>>) dst(%dma_wait3A_744 : memref<512xf32, #tpu.memory_space<vmem>>)
      tpu.yield
    }) : () -> ()
    %dma_start3A_162 = arith.constant 0 : i32
    %dma_start3A_163 = arith.constant 0 : i32
    %dma_start3A_164 = arith.constant 0 : i32
    %dma_start3A_165 = tpu.memref_slice %arg7[%dma_start3A_162, %dma_start3A_164] : memref<17x512xf32, #tpu.memory_space<vmem>> -> memref<1x512xf32, #tpu.memory_space<vmem>>
    %dma_start3A_166 = tpu.memref_squeeze %dma_start3A_165 : memref<1x512xf32, #tpu.memory_space<vmem>> -> memref<512xf32, #tpu.memory_space<vmem>>
    %dma_start3A_167 = tpu.memref_slice %arg5[%dma_start3A_163, %mul3A_2] : memref<17x16384xf32, #tpu.memory_space<hbm>> -> memref<1x512xf32, #tpu.memory_space<hbm>>
    %dma_start3A_168 = tpu.memref_squeeze %dma_start3A_167 : memref<1x512xf32, #tpu.memory_space<hbm>> -> memref<512xf32, #tpu.memory_space<hbm>>
    %dma_start3A_169 = tpu.memref_slice %arg5[%dma_start3A_163, %mul3A_2] : memref<17x16384xf32, #tpu.memory_space<hbm>> -> memref<1x512xf32, #tpu.memory_space<hbm>>
    %dma_start3A_170 = tpu.memref_squeeze %dma_start3A_169 : memref<1x512xf32, #tpu.memory_space<hbm>> -> memref<512xf32, #tpu.memory_space<hbm>>
    %dma_start3A_171 = arith.constant 0 : i32
    %dma_start3A_172 = tpu.memref_slice %arg7[%dma_start3A_162, %dma_start3A_171] : memref<17x512xf32, #tpu.memory_space<vmem>> -> memref<1x512xf32, #tpu.memory_space<vmem>>
    %dma_start3A_173 = tpu.memref_squeeze %dma_start3A_172 : memref<1x512xf32, #tpu.memory_space<vmem>> -> memref<512xf32, #tpu.memory_space<vmem>>
    tpu.enqueue_dma source(%dma_start3A_173 : memref<512xf32, #tpu.memory_space<vmem>>) target(%dma_start3A_170 : memref<512xf32, #tpu.memory_space<hbm>>) target_semaphore(%arg9 : memref<!tpu.dma_semaphore, #tpu.memory_space<semaphore_mem>>)
    %dma_wait3A = arith.constant 0 : i32
    %dma_wait3A_174 = arith.constant 1 : i32
    %dma_wait3A_175 = arith.constant 0 : i32
    %dma_wait3A_176 = tpu.memref_slice %arg7[%dma_wait3A_174, %dma_wait3A_175] : memref<17x512xf32, #tpu.memory_space<vmem>> -> memref<1x512xf32, #tpu.memory_space<vmem>>
    %dma_wait3A_177 = tpu.memref_squeeze %dma_wait3A_176 : memref<1x512xf32, #tpu.memory_space<vmem>> -> memref<512xf32, #tpu.memory_space<vmem>>
    %dma_wait3A_178 = arith.constant 0 : i32
    %dma_wait3A_179 = tpu.memref_slice %arg4[%dma_wait3A, %dma_wait3A_178] : memref<16x100000xf32, #tpu.memory_space<hbm>> -> memref<1x100000xf32, #tpu.memory_space<hbm>>
    %dma_wait3A_180 = tpu.memref_squeeze %dma_wait3A_179 : memref<1x100000xf32, #tpu.memory_space<hbm>> -> memref<100000xf32, #tpu.memory_space<hbm>>
    %dma_wait3A_181 = arith.constant 0 : i32
    %dma_wait3A_182 = tpu.memref_slice %dma_wait3A_180[%dma_wait3A_181] : memref<100000xf32, #tpu.memory_space<hbm>> -> memref<100000xf32, #tpu.memory_space<hbm>>
    tpu.wait_indirect_dma semaphore(%arg8 : memref<!tpu.dma_semaphore, #tpu.memory_space<semaphore_mem>>) src(%dma_wait3A_182 : memref<100000xf32, #tpu.memory_space<hbm>>) dst(%dma_wait3A_177 : memref<512xf32, #tpu.memory_space<vmem>>)
    %dma_start3A_183 = arith.constant 1 : i32
    %dma_start3A_184 = arith.constant 1 : i32
    %dma_start3A_185 = arith.constant 0 : i32
    %dma_start3A_186 = tpu.memref_slice %arg7[%dma_start3A_183, %dma_start3A_185] : memref<17x512xf32, #tpu.memory_space<vmem>> -> memref<1x512xf32, #tpu.memory_space<vmem>>
    %dma_start3A_187 = tpu.memref_squeeze %dma_start3A_186 : memref<1x512xf32, #tpu.memory_space<vmem>> -> memref<512xf32, #tpu.memory_space<vmem>>
    %dma_start3A_188 = tpu.memref_slice %arg5[%dma_start3A_184, %mul3A_2] : memref<17x16384xf32, #tpu.memory_space<hbm>> -> memref<1x512xf32, #tpu.memory_space<hbm>>
    %dma_start3A_189 = tpu.memref_squeeze %dma_start3A_188 : memref<1x512xf32, #tpu.memory_space<hbm>> -> memref<512xf32, #tpu.memory_space<hbm>>
    %dma_start3A_190 = tpu.memref_slice %arg5[%dma_start3A_184, %mul3A_2] : memref<17x16384xf32, #tpu.memory_space<hbm>> -> memref<1x512xf32, #tpu.memory_space<hbm>>
    %dma_start3A_191 = tpu.memref_squeeze %dma_start3A_190 : memref<1x512xf32, #tpu.memory_space<hbm>> -> memref<512xf32, #tpu.memory_space<hbm>>
    %dma_start3A_192 = arith.constant 0 : i32
    %dma_start3A_193 = tpu.memref_slice %arg7[%dma_start3A_183, %dma_start3A_192] : memref<17x512xf32, #tpu.memory_space<vmem>> -> memref<1x512xf32, #tpu.memory_space<vmem>>
    %dma_start3A_194 = tpu.memref_squeeze %dma_start3A_193 : memref<1x512xf32, #tpu.memory_space<vmem>> -> memref<512xf32, #tpu.memory_space<vmem>>
    tpu.enqueue_dma source(%dma_start3A_194 : memref<512xf32, #tpu.memory_space<vmem>>) target(%dma_start3A_191 : memref<512xf32, #tpu.memory_space<hbm>>) target_semaphore(%arg9 : memref<!tpu.dma_semaphore, #tpu.memory_space<semaphore_mem>>)
    %dma_wait3A_195 = arith.constant 1 : i32
    %dma_wait3A_196 = arith.constant 2 : i32
    %dma_wait3A_197 = arith.constant 0 : i32
    %dma_wait3A_198 = tpu.memref_slice %arg7[%dma_wait3A_196, %dma_wait3A_197] : memref<17x512xf32, #tpu.memory_space<vmem>> -> memref<1x512xf32, #tpu.memory_space<vmem>>
    %dma_wait3A_199 = tpu.memref_squeeze %dma_wait3A_198 : memref<1x512xf32, #tpu.memory_space<vmem>> -> memref<512xf32, #tpu.memory_space<vmem>>
    %dma_wait3A_200 = arith.constant 0 : i32
    %dma_wait3A_201 = tpu.memref_slice %arg4[%dma_wait3A_195, %dma_wait3A_200] : memref<16x100000xf32, #tpu.memory_space<hbm>> -> memref<1x100000xf32, #tpu.memory_space<hbm>>
    %dma_wait3A_202 = tpu.memref_squeeze %dma_wait3A_201 : memref<1x100000xf32, #tpu.memory_space<hbm>> -> memref<100000xf32, #tpu.memory_space<hbm>>
    %dma_wait3A_203 = arith.constant 0 : i32
    %dma_wait3A_204 = tpu.memref_slice %dma_wait3A_202[%dma_wait3A_203] : memref<100000xf32, #tpu.memory_space<hbm>> -> memref<100000xf32, #tpu.memory_space<hbm>>
    tpu.wait_indirect_dma semaphore(%arg8 : memref<!tpu.dma_semaphore, #tpu.memory_space<semaphore_mem>>) src(%dma_wait3A_204 : memref<100000xf32, #tpu.memory_space<hbm>>) dst(%dma_wait3A_199 : memref<512xf32, #tpu.memory_space<vmem>>)
    %dma_start3A_205 = arith.constant 2 : i32
    %dma_start3A_206 = arith.constant 2 : i32
    %dma_start3A_207 = arith.constant 0 : i32
    %dma_start3A_208 = tpu.memref_slice %arg7[%dma_start3A_205, %dma_start3A_207] : memref<17x512xf32, #tpu.memory_space<vmem>> -> memref<1x512xf32, #tpu.memory_space<vmem>>
    %dma_start3A_209 = tpu.memref_squeeze %dma_start3A_208 : memref<1x512xf32, #tpu.memory_space<vmem>> -> memref<512xf32, #tpu.memory_space<vmem>>
    %dma_start3A_210 = tpu.memref_slice %arg5[%dma_start3A_206, %mul3A_2] : memref<17x16384xf32, #tpu.memory_space<hbm>> -> memref<1x512xf32, #tpu.memory_space<hbm>>
    %dma_start3A_211 = tpu.memref_squeeze %dma_start3A_210 : memref<1x512xf32, #tpu.memory_space<hbm>> -> memref<512xf32, #tpu.memory_space<hbm>>
    %dma_start3A_212 = tpu.memref_slice %arg5[%dma_start3A_206, %mul3A_2] : memref<17x16384xf32, #tpu.memory_space<hbm>> -> memref<1x512xf32, #tpu.memory_space<hbm>>
    %dma_start3A_213 = tpu.memref_squeeze %dma_start3A_212 : memref<1x512xf32, #tpu.memory_space<hbm>> -> memref<512xf32, #tpu.memory_space<hbm>>
    %dma_start3A_214 = arith.constant 0 : i32
    %dma_start3A_215 = tpu.memref_slice %arg7[%dma_start3A_205, %dma_start3A_214] : memref<17x512xf32, #tpu.memory_space<vmem>> -> memref<1x512xf32, #tpu.memory_space<vmem>>
    %dma_start3A_216 = tpu.memref_squeeze %dma_start3A_215 : memref<1x512xf32, #tpu.memory_space<vmem>> -> memref<512xf32, #tpu.memory_space<vmem>>
    tpu.enqueue_dma source(%dma_start3A_216 : memref<512xf32, #tpu.memory_space<vmem>>) target(%dma_start3A_213 : memref<512xf32, #tpu.memory_space<hbm>>) target_semaphore(%arg9 : memref<!tpu.dma_semaphore, #tpu.memory_space<semaphore_mem>>)
    %dma_wait3A_217 = arith.constant 2 : i32
    %dma_wait3A_218 = arith.constant 3 : i32
    %dma_wait3A_219 = arith.constant 0 : i32
    %dma_wait3A_220 = tpu.memref_slice %arg7[%dma_wait3A_218, %dma_wait3A_219] : memref<17x512xf32, #tpu.memory_space<vmem>> -> memref<1x512xf32, #tpu.memory_space<vmem>>
    %dma_wait3A_221 = tpu.memref_squeeze %dma_wait3A_220 : memref<1x512xf32, #tpu.memory_space<vmem>> -> memref<512xf32, #tpu.memory_space<vmem>>
    %dma_wait3A_222 = arith.constant 0 : i32
    %dma_wait3A_223 = tpu.memref_slice %arg4[%dma_wait3A_217, %dma_wait3A_222] : memref<16x100000xf32, #tpu.memory_space<hbm>> -> memref<1x100000xf32, #tpu.memory_space<hbm>>
    %dma_wait3A_224 = tpu.memref_squeeze %dma_wait3A_223 : memref<1x100000xf32, #tpu.memory_space<hbm>> -> memref<100000xf32, #tpu.memory_space<hbm>>
    %dma_wait3A_225 = arith.constant 0 : i32
    %dma_wait3A_226 = tpu.memref_slice %dma_wait3A_224[%dma_wait3A_225] : memref<100000xf32, #tpu.memory_space<hbm>> -> memref<100000xf32, #tpu.memory_space<hbm>>
    tpu.wait_indirect_dma semaphore(%arg8 : memref<!tpu.dma_semaphore, #tpu.memory_space<semaphore_mem>>) src(%dma_wait3A_226 : memref<100000xf32, #tpu.memory_space<hbm>>) dst(%dma_wait3A_221 : memref<512xf32, #tpu.memory_space<vmem>>)
    %dma_start3A_227 = arith.constant 3 : i32
    %dma_start3A_228 = arith.constant 3 : i32
    %dma_start3A_229 = arith.constant 0 : i32
    %dma_start3A_230 = tpu.memref_slice %arg7[%dma_start3A_227, %dma_start3A_229] : memref<17x512xf32, #tpu.memory_space<vmem>> -> memref<1x512xf32, #tpu.memory_space<vmem>>
    %dma_start3A_231 = tpu.memref_squeeze %dma_start3A_230 : memref<1x512xf32, #tpu.memory_space<vmem>> -> memref<512xf32, #tpu.memory_space<vmem>>
    %dma_start3A_232 = tpu.memref_slice %arg5[%dma_start3A_228, %mul3A_2] : memref<17x16384xf32, #tpu.memory_space<hbm>> -> memref<1x512xf32, #tpu.memory_space<hbm>>
    %dma_start3A_233 = tpu.memref_squeeze %dma_start3A_232 : memref<1x512xf32, #tpu.memory_space<hbm>> -> memref<512xf32, #tpu.memory_space<hbm>>
    %dma_start3A_234 = tpu.memref_slice %arg5[%dma_start3A_228, %mul3A_2] : memref<17x16384xf32, #tpu.memory_space<hbm>> -> memref<1x512xf32, #tpu.memory_space<hbm>>
    %dma_start3A_235 = tpu.memref_squeeze %dma_start3A_234 : memref<1x512xf32, #tpu.memory_space<hbm>> -> memref<512xf32, #tpu.memory_space<hbm>>
    %dma_start3A_236 = arith.constant 0 : i32
    %dma_start3A_237 = tpu.memref_slice %arg7[%dma_start3A_227, %dma_start3A_236] : memref<17x512xf32, #tpu.memory_space<vmem>> -> memref<1x512xf32, #tpu.memory_space<vmem>>
    %dma_start3A_238 = tpu.memref_squeeze %dma_start3A_237 : memref<1x512xf32, #tpu.memory_space<vmem>> -> memref<512xf32, #tpu.memory_space<vmem>>
    tpu.enqueue_dma source(%dma_start3A_238 : memref<512xf32, #tpu.memory_space<vmem>>) target(%dma_start3A_235 : memref<512xf32, #tpu.memory_space<hbm>>) target_semaphore(%arg9 : memref<!tpu.dma_semaphore, #tpu.memory_space<semaphore_mem>>)
    %dma_wait3A_239 = arith.constant 3 : i32
    %dma_wait3A_240 = arith.constant 4 : i32
    %dma_wait3A_241 = arith.constant 0 : i32
    %dma_wait3A_242 = tpu.memref_slice %arg7[%dma_wait3A_240, %dma_wait3A_241] : memref<17x512xf32, #tpu.memory_space<vmem>> -> memref<1x512xf32, #tpu.memory_space<vmem>>
    %dma_wait3A_243 = tpu.memref_squeeze %dma_wait3A_242 : memref<1x512xf32, #tpu.memory_space<vmem>> -> memref<512xf32, #tpu.memory_space<vmem>>
    %dma_wait3A_244 = arith.constant 0 : i32
    %dma_wait3A_245 = tpu.memref_slice %arg4[%dma_wait3A_239, %dma_wait3A_244] : memref<16x100000xf32, #tpu.memory_space<hbm>> -> memref<1x100000xf32, #tpu.memory_space<hbm>>
    %dma_wait3A_246 = tpu.memref_squeeze %dma_wait3A_245 : memref<1x100000xf32, #tpu.memory_space<hbm>> -> memref<100000xf32, #tpu.memory_space<hbm>>
    %dma_wait3A_247 = arith.constant 0 : i32
    %dma_wait3A_248 = tpu.memref_slice %dma_wait3A_246[%dma_wait3A_247] : memref<100000xf32, #tpu.memory_space<hbm>> -> memref<100000xf32, #tpu.memory_space<hbm>>
    tpu.wait_indirect_dma semaphore(%arg8 : memref<!tpu.dma_semaphore, #tpu.memory_space<semaphore_mem>>) src(%dma_wait3A_248 : memref<100000xf32, #tpu.memory_space<hbm>>) dst(%dma_wait3A_243 : memref<512xf32, #tpu.memory_space<vmem>>)
    %dma_start3A_249 = arith.constant 4 : i32
    %dma_start3A_250 = arith.constant 4 : i32
    %dma_start3A_251 = arith.constant 0 : i32
    %dma_start3A_252 = tpu.memref_slice %arg7[%dma_start3A_249, %dma_start3A_251] : memref<17x512xf32, #tpu.memory_space<vmem>> -> memref<1x512xf32, #tpu.memory_space<vmem>>
    %dma_start3A_253 = tpu.memref_squeeze %dma_start3A_252 : memref<1x512xf32, #tpu.memory_space<vmem>> -> memref<512xf32, #tpu.memory_space<vmem>>
    %dma_start3A_254 = tpu.memref_slice %arg5[%dma_start3A_250, %mul3A_2] : memref<17x16384xf32, #tpu.memory_space<hbm>> -> memref<1x512xf32, #tpu.memory_space<hbm>>
    %dma_start3A_255 = tpu.memref_squeeze %dma_start3A_254 : memref<1x512xf32, #tpu.memory_space<hbm>> -> memref<512xf32, #tpu.memory_space<hbm>>
    %dma_start3A_256 = tpu.memref_slice %arg5[%dma_start3A_250, %mul3A_2] : memref<17x16384xf32, #tpu.memory_space<hbm>> -> memref<1x512xf32, #tpu.memory_space<hbm>>
    %dma_start3A_257 = tpu.memref_squeeze %dma_start3A_256 : memref<1x512xf32, #tpu.memory_space<hbm>> -> memref<512xf32, #tpu.memory_space<hbm>>
    %dma_start3A_258 = arith.constant 0 : i32
    %dma_start3A_259 = tpu.memref_slice %arg7[%dma_start3A_249, %dma_start3A_258] : memref<17x512xf32, #tpu.memory_space<vmem>> -> memref<1x512xf32, #tpu.memory_space<vmem>>
    %dma_start3A_260 = tpu.memref_squeeze %dma_start3A_259 : memref<1x512xf32, #tpu.memory_space<vmem>> -> memref<512xf32, #tpu.memory_space<vmem>>
    tpu.enqueue_dma source(%dma_start3A_260 : memref<512xf32, #tpu.memory_space<vmem>>) target(%dma_start3A_257 : memref<512xf32, #tpu.memory_space<hbm>>) target_semaphore(%arg9 : memref<!tpu.dma_semaphore, #tpu.memory_space<semaphore_mem>>)
    %dma_wait3A_261 = arith.constant 4 : i32
    %dma_wait3A_262 = arith.constant 5 : i32
    %dma_wait3A_263 = arith.constant 0 : i32
    %dma_wait3A_264 = tpu.memref_slice %arg7[%dma_wait3A_262, %dma_wait3A_263] : memref<17x512xf32, #tpu.memory_space<vmem>> -> memref<1x512xf32, #tpu.memory_space<vmem>>
    %dma_wait3A_265 = tpu.memref_squeeze %dma_wait3A_264 : memref<1x512xf32, #tpu.memory_space<vmem>> -> memref<512xf32, #tpu.memory_space<vmem>>
    %dma_wait3A_266 = arith.constant 0 : i32
    %dma_wait3A_267 = tpu.memref_slice %arg4[%dma_wait3A_261, %dma_wait3A_266] : memref<16x100000xf32, #tpu.memory_space<hbm>> -> memref<1x100000xf32, #tpu.memory_space<hbm>>
    %dma_wait3A_268 = tpu.memref_squeeze %dma_wait3A_267 : memref<1x100000xf32, #tpu.memory_space<hbm>> -> memref<100000xf32, #tpu.memory_space<hbm>>
    %dma_wait3A_269 = arith.constant 0 : i32
    %dma_wait3A_270 = tpu.memref_slice %dma_wait3A_268[%dma_wait3A_269] : memref<100000xf32, #tpu.memory_space<hbm>> -> memref<100000xf32, #tpu.memory_space<hbm>>
    tpu.wait_indirect_dma semaphore(%arg8 : memref<!tpu.dma_semaphore, #tpu.memory_space<semaphore_mem>>) src(%dma_wait3A_270 : memref<100000xf32, #tpu.memory_space<hbm>>) dst(%dma_wait3A_265 : memref<512xf32, #tpu.memory_space<vmem>>)
    %dma_start3A_271 = arith.constant 5 : i32
    %dma_start3A_272 = arith.constant 5 : i32
    %dma_start3A_273 = arith.constant 0 : i32
    %dma_start3A_274 = tpu.memref_slice %arg7[%dma_start3A_271, %dma_start3A_273] : memref<17x512xf32, #tpu.memory_space<vmem>> -> memref<1x512xf32, #tpu.memory_space<vmem>>
    %dma_start3A_275 = tpu.memref_squeeze %dma_start3A_274 : memref<1x512xf32, #tpu.memory_space<vmem>> -> memref<512xf32, #tpu.memory_space<vmem>>
    %dma_start3A_276 = tpu.memref_slice %arg5[%dma_start3A_272, %mul3A_2] : memref<17x16384xf32, #tpu.memory_space<hbm>> -> memref<1x512xf32, #tpu.memory_space<hbm>>
    %dma_start3A_277 = tpu.memref_squeeze %dma_start3A_276 : memref<1x512xf32, #tpu.memory_space<hbm>> -> memref<512xf32, #tpu.memory_space<hbm>>
    %dma_start3A_278 = tpu.memref_slice %arg5[%dma_start3A_272, %mul3A_2] : memref<17x16384xf32, #tpu.memory_space<hbm>> -> memref<1x512xf32, #tpu.memory_space<hbm>>
    %dma_start3A_279 = tpu.memref_squeeze %dma_start3A_278 : memref<1x512xf32, #tpu.memory_space<hbm>> -> memref<512xf32, #tpu.memory_space<hbm>>
    %dma_start3A_280 = arith.constant 0 : i32
    %dma_start3A_281 = tpu.memref_slice %arg7[%dma_start3A_271, %dma_start3A_280] : memref<17x512xf32, #tpu.memory_space<vmem>> -> memref<1x512xf32, #tpu.memory_space<vmem>>
    %dma_start3A_282 = tpu.memref_squeeze %dma_start3A_281 : memref<1x512xf32, #tpu.memory_space<vmem>> -> memref<512xf32, #tpu.memory_space<vmem>>
    tpu.enqueue_dma source(%dma_start3A_282 : memref<512xf32, #tpu.memory_space<vmem>>) target(%dma_start3A_279 : memref<512xf32, #tpu.memory_space<hbm>>) target_semaphore(%arg9 : memref<!tpu.dma_semaphore, #tpu.memory_space<semaphore_mem>>)
    %dma_wait3A_283 = arith.constant 5 : i32
    %dma_wait3A_284 = arith.constant 6 : i32
    %dma_wait3A_285 = arith.constant 0 : i32
    %dma_wait3A_286 = tpu.memref_slice %arg7[%dma_wait3A_284, %dma_wait3A_285] : memref<17x512xf32, #tpu.memory_space<vmem>> -> memref<1x512xf32, #tpu.memory_space<vmem>>
    %dma_wait3A_287 = tpu.memref_squeeze %dma_wait3A_286 : memref<1x512xf32, #tpu.memory_space<vmem>> -> memref<512xf32, #tpu.memory_space<vmem>>
    %dma_wait3A_288 = arith.constant 0 : i32
    %dma_wait3A_289 = tpu.memref_slice %arg4[%dma_wait3A_283, %dma_wait3A_288] : memref<16x100000xf32, #tpu.memory_space<hbm>> -> memref<1x100000xf32, #tpu.memory_space<hbm>>
    %dma_wait3A_290 = tpu.memref_squeeze %dma_wait3A_289 : memref<1x100000xf32, #tpu.memory_space<hbm>> -> memref<100000xf32, #tpu.memory_space<hbm>>
    %dma_wait3A_291 = arith.constant 0 : i32
    %dma_wait3A_292 = tpu.memref_slice %dma_wait3A_290[%dma_wait3A_291] : memref<100000xf32, #tpu.memory_space<hbm>> -> memref<100000xf32, #tpu.memory_space<hbm>>
    tpu.wait_indirect_dma semaphore(%arg8 : memref<!tpu.dma_semaphore, #tpu.memory_space<semaphore_mem>>) src(%dma_wait3A_292 : memref<100000xf32, #tpu.memory_space<hbm>>) dst(%dma_wait3A_287 : memref<512xf32, #tpu.memory_space<vmem>>)
    %dma_start3A_293 = arith.constant 6 : i32
    %dma_start3A_294 = arith.constant 6 : i32
    %dma_start3A_295 = arith.constant 0 : i32
    %dma_start3A_296 = tpu.memref_slice %arg7[%dma_start3A_293, %dma_start3A_295] : memref<17x512xf32, #tpu.memory_space<vmem>> -> memref<1x512xf32, #tpu.memory_space<vmem>>
    %dma_start3A_297 = tpu.memref_squeeze %dma_start3A_296 : memref<1x512xf32, #tpu.memory_space<vmem>> -> memref<512xf32, #tpu.memory_space<vmem>>
    %dma_start3A_298 = tpu.memref_slice %arg5[%dma_start3A_294, %mul3A_2] : memref<17x16384xf32, #tpu.memory_space<hbm>> -> memref<1x512xf32, #tpu.memory_space<hbm>>
    %dma_start3A_299 = tpu.memref_squeeze %dma_start3A_298 : memref<1x512xf32, #tpu.memory_space<hbm>> -> memref<512xf32, #tpu.memory_space<hbm>>
    %dma_start3A_300 = tpu.memref_slice %arg5[%dma_start3A_294, %mul3A_2] : memref<17x16384xf32, #tpu.memory_space<hbm>> -> memref<1x512xf32, #tpu.memory_space<hbm>>
    %dma_start3A_301 = tpu.memref_squeeze %dma_start3A_300 : memref<1x512xf32, #tpu.memory_space<hbm>> -> memref<512xf32, #tpu.memory_space<hbm>>
    %dma_start3A_302 = arith.constant 0 : i32
    %dma_start3A_303 = tpu.memref_slice %arg7[%dma_start3A_293, %dma_start3A_302] : memref<17x512xf32, #tpu.memory_space<vmem>> -> memref<1x512xf32, #tpu.memory_space<vmem>>
    %dma_start3A_304 = tpu.memref_squeeze %dma_start3A_303 : memref<1x512xf32, #tpu.memory_space<vmem>> -> memref<512xf32, #tpu.memory_space<vmem>>
    tpu.enqueue_dma source(%dma_start3A_304 : memref<512xf32, #tpu.memory_space<vmem>>) target(%dma_start3A_301 : memref<512xf32, #tpu.memory_space<hbm>>) target_semaphore(%arg9 : memref<!tpu.dma_semaphore, #tpu.memory_space<semaphore_mem>>)
    %dma_wait3A_305 = arith.constant 6 : i32
    %dma_wait3A_306 = arith.constant 7 : i32
    %dma_wait3A_307 = arith.constant 0 : i32
    %dma_wait3A_308 = tpu.memref_slice %arg7[%dma_wait3A_306, %dma_wait3A_307] : memref<17x512xf32, #tpu.memory_space<vmem>> -> memref<1x512xf32, #tpu.memory_space<vmem>>
    %dma_wait3A_309 = tpu.memref_squeeze %dma_wait3A_308 : memref<1x512xf32, #tpu.memory_space<vmem>> -> memref<512xf32, #tpu.memory_space<vmem>>
    %dma_wait3A_310 = arith.constant 0 : i32
    %dma_wait3A_311 = tpu.memref_slice %arg4[%dma_wait3A_305, %dma_wait3A_310] : memref<16x100000xf32, #tpu.memory_space<hbm>> -> memref<1x100000xf32, #tpu.memory_space<hbm>>
    %dma_wait3A_312 = tpu.memref_squeeze %dma_wait3A_311 : memref<1x100000xf32, #tpu.memory_space<hbm>> -> memref<100000xf32, #tpu.memory_space<hbm>>
    %dma_wait3A_313 = arith.constant 0 : i32
    %dma_wait3A_314 = tpu.memref_slice %dma_wait3A_312[%dma_wait3A_313] : memref<100000xf32, #tpu.memory_space<hbm>> -> memref<100000xf32, #tpu.memory_space<hbm>>
    tpu.wait_indirect_dma semaphore(%arg8 : memref<!tpu.dma_semaphore, #tpu.memory_space<semaphore_mem>>) src(%dma_wait3A_314 : memref<100000xf32, #tpu.memory_space<hbm>>) dst(%dma_wait3A_309 : memref<512xf32, #tpu.memory_space<vmem>>)
    %dma_start3A_315 = arith.constant 7 : i32
    %dma_start3A_316 = arith.constant 7 : i32
    %dma_start3A_317 = arith.constant 0 : i32
    %dma_start3A_318 = tpu.memref_slice %arg7[%dma_start3A_315, %dma_start3A_317] : memref<17x512xf32, #tpu.memory_space<vmem>> -> memref<1x512xf32, #tpu.memory_space<vmem>>
    %dma_start3A_319 = tpu.memref_squeeze %dma_start3A_318 : memref<1x512xf32, #tpu.memory_space<vmem>> -> memref<512xf32, #tpu.memory_space<vmem>>
    %dma_start3A_320 = tpu.memref_slice %arg5[%dma_start3A_316, %mul3A_2] : memref<17x16384xf32, #tpu.memory_space<hbm>> -> memref<1x512xf32, #tpu.memory_space<hbm>>
    %dma_start3A_321 = tpu.memref_squeeze %dma_start3A_320 : memref<1x512xf32, #tpu.memory_space<hbm>> -> memref<512xf32, #tpu.memory_space<hbm>>
    %dma_start3A_322 = tpu.memref_slice %arg5[%dma_start3A_316, %mul3A_2] : memref<17x16384xf32, #tpu.memory_space<hbm>> -> memref<1x512xf32, #tpu.memory_space<hbm>>
    %dma_start3A_323 = tpu.memref_squeeze %dma_start3A_322 : memref<1x512xf32, #tpu.memory_space<hbm>> -> memref<512xf32, #tpu.memory_space<hbm>>
    %dma_start3A_324 = arith.constant 0 : i32
    %dma_start3A_325 = tpu.memref_slice %arg7[%dma_start3A_315, %dma_start3A_324] : memref<17x512xf32, #tpu.memory_space<vmem>> -> memref<1x512xf32, #tpu.memory_space<vmem>>
    %dma_start3A_326 = tpu.memref_squeeze %dma_start3A_325 : memref<1x512xf32, #tpu.memory_space<vmem>> -> memref<512xf32, #tpu.memory_space<vmem>>
    tpu.enqueue_dma source(%dma_start3A_326 : memref<512xf32, #tpu.memory_space<vmem>>) target(%dma_start3A_323 : memref<512xf32, #tpu.memory_space<hbm>>) target_semaphore(%arg9 : memref<!tpu.dma_semaphore, #tpu.memory_space<semaphore_mem>>)
    %dma_wait3A_327 = arith.constant 7 : i32
    %dma_wait3A_328 = arith.constant 8 : i32
    %dma_wait3A_329 = arith.constant 0 : i32
    %dma_wait3A_330 = tpu.memref_slice %arg7[%dma_wait3A_328, %dma_wait3A_329] : memref<17x512xf32, #tpu.memory_space<vmem>> -> memref<1x512xf32, #tpu.memory_space<vmem>>
    %dma_wait3A_331 = tpu.memref_squeeze %dma_wait3A_330 : memref<1x512xf32, #tpu.memory_space<vmem>> -> memref<512xf32, #tpu.memory_space<vmem>>
    %dma_wait3A_332 = arith.constant 0 : i32
    %dma_wait3A_333 = tpu.memref_slice %arg4[%dma_wait3A_327, %dma_wait3A_332] : memref<16x100000xf32, #tpu.memory_space<hbm>> -> memref<1x100000xf32, #tpu.memory_space<hbm>>
    %dma_wait3A_334 = tpu.memref_squeeze %dma_wait3A_333 : memref<1x100000xf32, #tpu.memory_space<hbm>> -> memref<100000xf32, #tpu.memory_space<hbm>>
    %dma_wait3A_335 = arith.constant 0 : i32
    %dma_wait3A_336 = tpu.memref_slice %dma_wait3A_334[%dma_wait3A_335] : memref<100000xf32, #tpu.memory_space<hbm>> -> memref<100000xf32, #tpu.memory_space<hbm>>
    tpu.wait_indirect_dma semaphore(%arg8 : memref<!tpu.dma_semaphore, #tpu.memory_space<semaphore_mem>>) src(%dma_wait3A_336 : memref<100000xf32, #tpu.memory_space<hbm>>) dst(%dma_wait3A_331 : memref<512xf32, #tpu.memory_space<vmem>>)
    %dma_start3A_337 = arith.constant 8 : i32
    %dma_start3A_338 = arith.constant 8 : i32
    %dma_start3A_339 = arith.constant 0 : i32
    %dma_start3A_340 = tpu.memref_slice %arg7[%dma_start3A_337, %dma_start3A_339] : memref<17x512xf32, #tpu.memory_space<vmem>> -> memref<1x512xf32, #tpu.memory_space<vmem>>
    %dma_start3A_341 = tpu.memref_squeeze %dma_start3A_340 : memref<1x512xf32, #tpu.memory_space<vmem>> -> memref<512xf32, #tpu.memory_space<vmem>>
    %dma_start3A_342 = tpu.memref_slice %arg5[%dma_start3A_338, %mul3A_2] : memref<17x16384xf32, #tpu.memory_space<hbm>> -> memref<1x512xf32, #tpu.memory_space<hbm>>
    %dma_start3A_343 = tpu.memref_squeeze %dma_start3A_342 : memref<1x512xf32, #tpu.memory_space<hbm>> -> memref<512xf32, #tpu.memory_space<hbm>>
    %dma_start3A_344 = tpu.memref_slice %arg5[%dma_start3A_338, %mul3A_2] : memref<17x16384xf32, #tpu.memory_space<hbm>> -> memref<1x512xf32, #tpu.memory_space<hbm>>
    %dma_start3A_345 = tpu.memref_squeeze %dma_start3A_344 : memref<1x512xf32, #tpu.memory_space<hbm>> -> memref<512xf32, #tpu.memory_space<hbm>>
    %dma_start3A_346 = arith.constant 0 : i32
    %dma_start3A_347 = tpu.memref_slice %arg7[%dma_start3A_337, %dma_start3A_346] : memref<17x512xf32, #tpu.memory_space<vmem>> -> memref<1x512xf32, #tpu.memory_space<vmem>>
    %dma_start3A_348 = tpu.memref_squeeze %dma_start3A_347 : memref<1x512xf32, #tpu.memory_space<vmem>> -> memref<512xf32, #tpu.memory_space<vmem>>
    tpu.enqueue_dma source(%dma_start3A_348 : memref<512xf32, #tpu.memory_space<vmem>>) target(%dma_start3A_345 : memref<512xf32, #tpu.memory_space<hbm>>) target_semaphore(%arg9 : memref<!tpu.dma_semaphore, #tpu.memory_space<semaphore_mem>>)
    %dma_wait3A_349 = arith.constant 8 : i32
    %dma_wait3A_350 = arith.constant 9 : i32
    %dma_wait3A_351 = arith.constant 0 : i32
    %dma_wait3A_352 = tpu.memref_slice %arg7[%dma_wait3A_350, %dma_wait3A_351] : memref<17x512xf32, #tpu.memory_space<vmem>> -> memref<1x512xf32, #tpu.memory_space<vmem>>
    %dma_wait3A_353 = tpu.memref_squeeze %dma_wait3A_352 : memref<1x512xf32, #tpu.memory_space<vmem>> -> memref<512xf32, #tpu.memory_space<vmem>>
    %dma_wait3A_354 = arith.constant 0 : i32
    %dma_wait3A_355 = tpu.memref_slice %arg4[%dma_wait3A_349, %dma_wait3A_354] : memref<16x100000xf32, #tpu.memory_space<hbm>> -> memref<1x100000xf32, #tpu.memory_space<hbm>>
    %dma_wait3A_356 = tpu.memref_squeeze %dma_wait3A_355 : memref<1x100000xf32, #tpu.memory_space<hbm>> -> memref<100000xf32, #tpu.memory_space<hbm>>
    %dma_wait3A_357 = arith.constant 0 : i32
    %dma_wait3A_358 = tpu.memref_slice %dma_wait3A_356[%dma_wait3A_357] : memref<100000xf32, #tpu.memory_space<hbm>> -> memref<100000xf32, #tpu.memory_space<hbm>>
    tpu.wait_indirect_dma semaphore(%arg8 : memref<!tpu.dma_semaphore, #tpu.memory_space<semaphore_mem>>) src(%dma_wait3A_358 : memref<100000xf32, #tpu.memory_space<hbm>>) dst(%dma_wait3A_353 : memref<512xf32, #tpu.memory_space<vmem>>)
    %dma_start3A_359 = arith.constant 9 : i32
    %dma_start3A_360 = arith.constant 9 : i32
    %dma_start3A_361 = arith.constant 0 : i32
    %dma_start3A_362 = tpu.memref_slice %arg7[%dma_start3A_359, %dma_start3A_361] : memref<17x512xf32, #tpu.memory_space<vmem>> -> memref<1x512xf32, #tpu.memory_space<vmem>>
    %dma_start3A_363 = tpu.memref_squeeze %dma_start3A_362 : memref<1x512xf32, #tpu.memory_space<vmem>> -> memref<512xf32, #tpu.memory_space<vmem>>
    %dma_start3A_364 = tpu.memref_slice %arg5[%dma_start3A_360, %mul3A_2] : memref<17x16384xf32, #tpu.memory_space<hbm>> -> memref<1x512xf32, #tpu.memory_space<hbm>>
    %dma_start3A_365 = tpu.memref_squeeze %dma_start3A_364 : memref<1x512xf32, #tpu.memory_space<hbm>> -> memref<512xf32, #tpu.memory_space<hbm>>
    %dma_start3A_366 = tpu.memref_slice %arg5[%dma_start3A_360, %mul3A_2] : memref<17x16384xf32, #tpu.memory_space<hbm>> -> memref<1x512xf32, #tpu.memory_space<hbm>>
    %dma_start3A_367 = tpu.memref_squeeze %dma_start3A_366 : memref<1x512xf32, #tpu.memory_space<hbm>> -> memref<512xf32, #tpu.memory_space<hbm>>
    %dma_start3A_368 = arith.constant 0 : i32
    %dma_start3A_369 = tpu.memref_slice %arg7[%dma_start3A_359, %dma_start3A_368] : memref<17x512xf32, #tpu.memory_space<vmem>> -> memref<1x512xf32, #tpu.memory_space<vmem>>
    %dma_start3A_370 = tpu.memref_squeeze %dma_start3A_369 : memref<1x512xf32, #tpu.memory_space<vmem>> -> memref<512xf32, #tpu.memory_space<vmem>>
    tpu.enqueue_dma source(%dma_start3A_370 : memref<512xf32, #tpu.memory_space<vmem>>) target(%dma_start3A_367 : memref<512xf32, #tpu.memory_space<hbm>>) target_semaphore(%arg9 : memref<!tpu.dma_semaphore, #tpu.memory_space<semaphore_mem>>)
    %dma_wait3A_371 = arith.constant 9 : i32
    %dma_wait3A_372 = arith.constant 10 : i32
    %dma_wait3A_373 = arith.constant 0 : i32
    %dma_wait3A_374 = tpu.memref_slice %arg7[%dma_wait3A_372, %dma_wait3A_373] : memref<17x512xf32, #tpu.memory_space<vmem>> -> memref<1x512xf32, #tpu.memory_space<vmem>>
    %dma_wait3A_375 = tpu.memref_squeeze %dma_wait3A_374 : memref<1x512xf32, #tpu.memory_space<vmem>> -> memref<512xf32, #tpu.memory_space<vmem>>
    %dma_wait3A_376 = arith.constant 0 : i32
    %dma_wait3A_377 = tpu.memref_slice %arg4[%dma_wait3A_371, %dma_wait3A_376] : memref<16x100000xf32, #tpu.memory_space<hbm>> -> memref<1x100000xf32, #tpu.memory_space<hbm>>
    %dma_wait3A_378 = tpu.memref_squeeze %dma_wait3A_377 : memref<1x100000xf32, #tpu.memory_space<hbm>> -> memref<100000xf32, #tpu.memory_space<hbm>>
    %dma_wait3A_379 = arith.constant 0 : i32
    %dma_wait3A_380 = tpu.memref_slice %dma_wait3A_378[%dma_wait3A_379] : memref<100000xf32, #tpu.memory_space<hbm>> -> memref<100000xf32, #tpu.memory_space<hbm>>
    tpu.wait_indirect_dma semaphore(%arg8 : memref<!tpu.dma_semaphore, #tpu.memory_space<semaphore_mem>>) src(%dma_wait3A_380 : memref<100000xf32, #tpu.memory_space<hbm>>) dst(%dma_wait3A_375 : memref<512xf32, #tpu.memory_space<vmem>>)
    %dma_start3A_381 = arith.constant 10 : i32
    %dma_start3A_382 = arith.constant 10 : i32
    %dma_start3A_383 = arith.constant 0 : i32
    %dma_start3A_384 = tpu.memref_slice %arg7[%dma_start3A_381, %dma_start3A_383] : memref<17x512xf32, #tpu.memory_space<vmem>> -> memref<1x512xf32, #tpu.memory_space<vmem>>
    %dma_start3A_385 = tpu.memref_squeeze %dma_start3A_384 : memref<1x512xf32, #tpu.memory_space<vmem>> -> memref<512xf32, #tpu.memory_space<vmem>>
    %dma_start3A_386 = tpu.memref_slice %arg5[%dma_start3A_382, %mul3A_2] : memref<17x16384xf32, #tpu.memory_space<hbm>> -> memref<1x512xf32, #tpu.memory_space<hbm>>
    %dma_start3A_387 = tpu.memref_squeeze %dma_start3A_386 : memref<1x512xf32, #tpu.memory_space<hbm>> -> memref<512xf32, #tpu.memory_space<hbm>>
    %dma_start3A_388 = tpu.memref_slice %arg5[%dma_start3A_382, %mul3A_2] : memref<17x16384xf32, #tpu.memory_space<hbm>> -> memref<1x512xf32, #tpu.memory_space<hbm>>
    %dma_start3A_389 = tpu.memref_squeeze %dma_start3A_388 : memref<1x512xf32, #tpu.memory_space<hbm>> -> memref<512xf32, #tpu.memory_space<hbm>>
    %dma_start3A_390 = arith.constant 0 : i32
    %dma_start3A_391 = tpu.memref_slice %arg7[%dma_start3A_381, %dma_start3A_390] : memref<17x512xf32, #tpu.memory_space<vmem>> -> memref<1x512xf32, #tpu.memory_space<vmem>>
    %dma_start3A_392 = tpu.memref_squeeze %dma_start3A_391 : memref<1x512xf32, #tpu.memory_space<vmem>> -> memref<512xf32, #tpu.memory_space<vmem>>
    tpu.enqueue_dma source(%dma_start3A_392 : memref<512xf32, #tpu.memory_space<vmem>>) target(%dma_start3A_389 : memref<512xf32, #tpu.memory_space<hbm>>) target_semaphore(%arg9 : memref<!tpu.dma_semaphore, #tpu.memory_space<semaphore_mem>>)
    %dma_wait3A_393 = arith.constant 10 : i32
    %dma_wait3A_394 = arith.constant 11 : i32
    %dma_wait3A_395 = arith.constant 0 : i32
    %dma_wait3A_396 = tpu.memref_slice %arg7[%dma_wait3A_394, %dma_wait3A_395] : memref<17x512xf32, #tpu.memory_space<vmem>> -> memref<1x512xf32, #tpu.memory_space<vmem>>
    %dma_wait3A_397 = tpu.memref_squeeze %dma_wait3A_396 : memref<1x512xf32, #tpu.memory_space<vmem>> -> memref<512xf32, #tpu.memory_space<vmem>>
    %dma_wait3A_398 = arith.constant 0 : i32
    %dma_wait3A_399 = tpu.memref_slice %arg4[%dma_wait3A_393, %dma_wait3A_398] : memref<16x100000xf32, #tpu.memory_space<hbm>> -> memref<1x100000xf32, #tpu.memory_space<hbm>>
    %dma_wait3A_400 = tpu.memref_squeeze %dma_wait3A_399 : memref<1x100000xf32, #tpu.memory_space<hbm>> -> memref<100000xf32, #tpu.memory_space<hbm>>
    %dma_wait3A_401 = arith.constant 0 : i32
    %dma_wait3A_402 = tpu.memref_slice %dma_wait3A_400[%dma_wait3A_401] : memref<100000xf32, #tpu.memory_space<hbm>> -> memref<100000xf32, #tpu.memory_space<hbm>>
    tpu.wait_indirect_dma semaphore(%arg8 : memref<!tpu.dma_semaphore, #tpu.memory_space<semaphore_mem>>) src(%dma_wait3A_402 : memref<100000xf32, #tpu.memory_space<hbm>>) dst(%dma_wait3A_397 : memref<512xf32, #tpu.memory_space<vmem>>)
    %dma_start3A_403 = arith.constant 11 : i32
    %dma_start3A_404 = arith.constant 11 : i32
    %dma_start3A_405 = arith.constant 0 : i32
    %dma_start3A_406 = tpu.memref_slice %arg7[%dma_start3A_403, %dma_start3A_405] : memref<17x512xf32, #tpu.memory_space<vmem>> -> memref<1x512xf32, #tpu.memory_space<vmem>>
    %dma_start3A_407 = tpu.memref_squeeze %dma_start3A_406 : memref<1x512xf32, #tpu.memory_space<vmem>> -> memref<512xf32, #tpu.memory_space<vmem>>
    %dma_start3A_408 = tpu.memref_slice %arg5[%dma_start3A_404, %mul3A_2] : memref<17x16384xf32, #tpu.memory_space<hbm>> -> memref<1x512xf32, #tpu.memory_space<hbm>>
    %dma_start3A_409 = tpu.memref_squeeze %dma_start3A_408 : memref<1x512xf32, #tpu.memory_space<hbm>> -> memref<512xf32, #tpu.memory_space<hbm>>
    %dma_start3A_410 = tpu.memref_slice %arg5[%dma_start3A_404, %mul3A_2] : memref<17x16384xf32, #tpu.memory_space<hbm>> -> memref<1x512xf32, #tpu.memory_space<hbm>>
    %dma_start3A_411 = tpu.memref_squeeze %dma_start3A_410 : memref<1x512xf32, #tpu.memory_space<hbm>> -> memref<512xf32, #tpu.memory_space<hbm>>
    %dma_start3A_412 = arith.constant 0 : i32
    %dma_start3A_413 = tpu.memref_slice %arg7[%dma_start3A_403, %dma_start3A_412] : memref<17x512xf32, #tpu.memory_space<vmem>> -> memref<1x512xf32, #tpu.memory_space<vmem>>
    %dma_start3A_414 = tpu.memref_squeeze %dma_start3A_413 : memref<1x512xf32, #tpu.memory_space<vmem>> -> memref<512xf32, #tpu.memory_space<vmem>>
    tpu.enqueue_dma source(%dma_start3A_414 : memref<512xf32, #tpu.memory_space<vmem>>) target(%dma_start3A_411 : memref<512xf32, #tpu.memory_space<hbm>>) target_semaphore(%arg9 : memref<!tpu.dma_semaphore, #tpu.memory_space<semaphore_mem>>)
    %dma_wait3A_415 = arith.constant 11 : i32
    %dma_wait3A_416 = arith.constant 12 : i32
    %dma_wait3A_417 = arith.constant 0 : i32
    %dma_wait3A_418 = tpu.memref_slice %arg7[%dma_wait3A_416, %dma_wait3A_417] : memref<17x512xf32, #tpu.memory_space<vmem>> -> memref<1x512xf32, #tpu.memory_space<vmem>>
    %dma_wait3A_419 = tpu.memref_squeeze %dma_wait3A_418 : memref<1x512xf32, #tpu.memory_space<vmem>> -> memref<512xf32, #tpu.memory_space<vmem>>
    %dma_wait3A_420 = arith.constant 0 : i32
    %dma_wait3A_421 = tpu.memref_slice %arg4[%dma_wait3A_415, %dma_wait3A_420] : memref<16x100000xf32, #tpu.memory_space<hbm>> -> memref<1x100000xf32, #tpu.memory_space<hbm>>
    %dma_wait3A_422 = tpu.memref_squeeze %dma_wait3A_421 : memref<1x100000xf32, #tpu.memory_space<hbm>> -> memref<100000xf32, #tpu.memory_space<hbm>>
    %dma_wait3A_423 = arith.constant 0 : i32
    %dma_wait3A_424 = tpu.memref_slice %dma_wait3A_422[%dma_wait3A_423] : memref<100000xf32, #tpu.memory_space<hbm>> -> memref<100000xf32, #tpu.memory_space<hbm>>
    tpu.wait_indirect_dma semaphore(%arg8 : memref<!tpu.dma_semaphore, #tpu.memory_space<semaphore_mem>>) src(%dma_wait3A_424 : memref<100000xf32, #tpu.memory_space<hbm>>) dst(%dma_wait3A_419 : memref<512xf32, #tpu.memory_space<vmem>>)
    %dma_start3A_425 = arith.constant 12 : i32
    %dma_start3A_426 = arith.constant 12 : i32
    %dma_start3A_427 = arith.constant 0 : i32
    %dma_start3A_428 = tpu.memref_slice %arg7[%dma_start3A_425, %dma_start3A_427] : memref<17x512xf32, #tpu.memory_space<vmem>> -> memref<1x512xf32, #tpu.memory_space<vmem>>
    %dma_start3A_429 = tpu.memref_squeeze %dma_start3A_428 : memref<1x512xf32, #tpu.memory_space<vmem>> -> memref<512xf32, #tpu.memory_space<vmem>>
    %dma_start3A_430 = tpu.memref_slice %arg5[%dma_start3A_426, %mul3A_2] : memref<17x16384xf32, #tpu.memory_space<hbm>> -> memref<1x512xf32, #tpu.memory_space<hbm>>
    %dma_start3A_431 = tpu.memref_squeeze %dma_start3A_430 : memref<1x512xf32, #tpu.memory_space<hbm>> -> memref<512xf32, #tpu.memory_space<hbm>>
    %dma_start3A_432 = tpu.memref_slice %arg5[%dma_start3A_426, %mul3A_2] : memref<17x16384xf32, #tpu.memory_space<hbm>> -> memref<1x512xf32, #tpu.memory_space<hbm>>
    %dma_start3A_433 = tpu.memref_squeeze %dma_start3A_432 : memref<1x512xf32, #tpu.memory_space<hbm>> -> memref<512xf32, #tpu.memory_space<hbm>>
    %dma_start3A_434 = arith.constant 0 : i32
    %dma_start3A_435 = tpu.memref_slice %arg7[%dma_start3A_425, %dma_start3A_434] : memref<17x512xf32, #tpu.memory_space<vmem>> -> memref<1x512xf32, #tpu.memory_space<vmem>>
    %dma_start3A_436 = tpu.memref_squeeze %dma_start3A_435 : memref<1x512xf32, #tpu.memory_space<vmem>> -> memref<512xf32, #tpu.memory_space<vmem>>
    tpu.enqueue_dma source(%dma_start3A_436 : memref<512xf32, #tpu.memory_space<vmem>>) target(%dma_start3A_433 : memref<512xf32, #tpu.memory_space<hbm>>) target_semaphore(%arg9 : memref<!tpu.dma_semaphore, #tpu.memory_space<semaphore_mem>>)
    %dma_wait3A_437 = arith.constant 12 : i32
    %dma_wait3A_438 = arith.constant 13 : i32
    %dma_wait3A_439 = arith.constant 0 : i32
    %dma_wait3A_440 = tpu.memref_slice %arg7[%dma_wait3A_438, %dma_wait3A_439] : memref<17x512xf32, #tpu.memory_space<vmem>> -> memref<1x512xf32, #tpu.memory_space<vmem>>
    %dma_wait3A_441 = tpu.memref_squeeze %dma_wait3A_440 : memref<1x512xf32, #tpu.memory_space<vmem>> -> memref<512xf32, #tpu.memory_space<vmem>>
    %dma_wait3A_442 = arith.constant 0 : i32
    %dma_wait3A_443 = tpu.memref_slice %arg4[%dma_wait3A_437, %dma_wait3A_442] : memref<16x100000xf32, #tpu.memory_space<hbm>> -> memref<1x100000xf32, #tpu.memory_space<hbm>>
    %dma_wait3A_444 = tpu.memref_squeeze %dma_wait3A_443 : memref<1x100000xf32, #tpu.memory_space<hbm>> -> memref<100000xf32, #tpu.memory_space<hbm>>
    %dma_wait3A_445 = arith.constant 0 : i32
    %dma_wait3A_446 = tpu.memref_slice %dma_wait3A_444[%dma_wait3A_445] : memref<100000xf32, #tpu.memory_space<hbm>> -> memref<100000xf32, #tpu.memory_space<hbm>>
    tpu.wait_indirect_dma semaphore(%arg8 : memref<!tpu.dma_semaphore, #tpu.memory_space<semaphore_mem>>) src(%dma_wait3A_446 : memref<100000xf32, #tpu.memory_space<hbm>>) dst(%dma_wait3A_441 : memref<512xf32, #tpu.memory_space<vmem>>)
    %dma_start3A_447 = arith.constant 13 : i32
    %dma_start3A_448 = arith.constant 13 : i32
    %dma_start3A_449 = arith.constant 0 : i32
    %dma_start3A_450 = tpu.memref_slice %arg7[%dma_start3A_447, %dma_start3A_449] : memref<17x512xf32, #tpu.memory_space<vmem>> -> memref<1x512xf32, #tpu.memory_space<vmem>>
    %dma_start3A_451 = tpu.memref_squeeze %dma_start3A_450 : memref<1x512xf32, #tpu.memory_space<vmem>> -> memref<512xf32, #tpu.memory_space<vmem>>
    %dma_start3A_452 = tpu.memref_slice %arg5[%dma_start3A_448, %mul3A_2] : memref<17x16384xf32, #tpu.memory_space<hbm>> -> memref<1x512xf32, #tpu.memory_space<hbm>>
    %dma_start3A_453 = tpu.memref_squeeze %dma_start3A_452 : memref<1x512xf32, #tpu.memory_space<hbm>> -> memref<512xf32, #tpu.memory_space<hbm>>
    %dma_start3A_454 = tpu.memref_slice %arg5[%dma_start3A_448, %mul3A_2] : memref<17x16384xf32, #tpu.memory_space<hbm>> -> memref<1x512xf32, #tpu.memory_space<hbm>>
    %dma_start3A_455 = tpu.memref_squeeze %dma_start3A_454 : memref<1x512xf32, #tpu.memory_space<hbm>> -> memref<512xf32, #tpu.memory_space<hbm>>
    %dma_start3A_456 = arith.constant 0 : i32
    %dma_start3A_457 = tpu.memref_slice %arg7[%dma_start3A_447, %dma_start3A_456] : memref<17x512xf32, #tpu.memory_space<vmem>> -> memref<1x512xf32, #tpu.memory_space<vmem>>
    %dma_start3A_458 = tpu.memref_squeeze %dma_start3A_457 : memref<1x512xf32, #tpu.memory_space<vmem>> -> memref<512xf32, #tpu.memory_space<vmem>>
    tpu.enqueue_dma source(%dma_start3A_458 : memref<512xf32, #tpu.memory_space<vmem>>) target(%dma_start3A_455 : memref<512xf32, #tpu.memory_space<hbm>>) target_semaphore(%arg9 : memref<!tpu.dma_semaphore, #tpu.memory_space<semaphore_mem>>)
    %dma_wait3A_459 = arith.constant 13 : i32
    %dma_wait3A_460 = arith.constant 14 : i32
    %dma_wait3A_461 = arith.constant 0 : i32
    %dma_wait3A_462 = tpu.memref_slice %arg7[%dma_wait3A_460, %dma_wait3A_461] : memref<17x512xf32, #tpu.memory_space<vmem>> -> memref<1x512xf32, #tpu.memory_space<vmem>>
    %dma_wait3A_463 = tpu.memref_squeeze %dma_wait3A_462 : memref<1x512xf32, #tpu.memory_space<vmem>> -> memref<512xf32, #tpu.memory_space<vmem>>
    %dma_wait3A_464 = arith.constant 0 : i32
    %dma_wait3A_465 = tpu.memref_slice %arg4[%dma_wait3A_459, %dma_wait3A_464] : memref<16x100000xf32, #tpu.memory_space<hbm>> -> memref<1x100000xf32, #tpu.memory_space<hbm>>
    %dma_wait3A_466 = tpu.memref_squeeze %dma_wait3A_465 : memref<1x100000xf32, #tpu.memory_space<hbm>> -> memref<100000xf32, #tpu.memory_space<hbm>>
    %dma_wait3A_467 = arith.constant 0 : i32
    %dma_wait3A_468 = tpu.memref_slice %dma_wait3A_466[%dma_wait3A_467] : memref<100000xf32, #tpu.memory_space<hbm>> -> memref<100000xf32, #tpu.memory_space<hbm>>
    tpu.wait_indirect_dma semaphore(%arg8 : memref<!tpu.dma_semaphore, #tpu.memory_space<semaphore_mem>>) src(%dma_wait3A_468 : memref<100000xf32, #tpu.memory_space<hbm>>) dst(%dma_wait3A_463 : memref<512xf32, #tpu.memory_space<vmem>>)
    %dma_start3A_469 = arith.constant 14 : i32
    %dma_start3A_470 = arith.constant 14 : i32
    %dma_start3A_471 = arith.constant 0 : i32
    %dma_start3A_472 = tpu.memref_slice %arg7[%dma_start3A_469, %dma_start3A_471] : memref<17x512xf32, #tpu.memory_space<vmem>> -> memref<1x512xf32, #tpu.memory_space<vmem>>
    %dma_start3A_473 = tpu.memref_squeeze %dma_start3A_472 : memref<1x512xf32, #tpu.memory_space<vmem>> -> memref<512xf32, #tpu.memory_space<vmem>>
    %dma_start3A_474 = tpu.memref_slice %arg5[%dma_start3A_470, %mul3A_2] : memref<17x16384xf32, #tpu.memory_space<hbm>> -> memref<1x512xf32, #tpu.memory_space<hbm>>
    %dma_start3A_475 = tpu.memref_squeeze %dma_start3A_474 : memref<1x512xf32, #tpu.memory_space<hbm>> -> memref<512xf32, #tpu.memory_space<hbm>>
    %dma_start3A_476 = tpu.memref_slice %arg5[%dma_start3A_470, %mul3A_2] : memref<17x16384xf32, #tpu.memory_space<hbm>> -> memref<1x512xf32, #tpu.memory_space<hbm>>
    %dma_start3A_477 = tpu.memref_squeeze %dma_start3A_476 : memref<1x512xf32, #tpu.memory_space<hbm>> -> memref<512xf32, #tpu.memory_space<hbm>>
    %dma_start3A_478 = arith.constant 0 : i32
    %dma_start3A_479 = tpu.memref_slice %arg7[%dma_start3A_469, %dma_start3A_478] : memref<17x512xf32, #tpu.memory_space<vmem>> -> memref<1x512xf32, #tpu.memory_space<vmem>>
    %dma_start3A_480 = tpu.memref_squeeze %dma_start3A_479 : memref<1x512xf32, #tpu.memory_space<vmem>> -> memref<512xf32, #tpu.memory_space<vmem>>
    tpu.enqueue_dma source(%dma_start3A_480 : memref<512xf32, #tpu.memory_space<vmem>>) target(%dma_start3A_477 : memref<512xf32, #tpu.memory_space<hbm>>) target_semaphore(%arg9 : memref<!tpu.dma_semaphore, #tpu.memory_space<semaphore_mem>>)
    %dma_wait3A_481 = arith.constant 14 : i32
    %dma_wait3A_482 = arith.constant 15 : i32
    %dma_wait3A_483 = arith.constant 0 : i32
    %dma_wait3A_484 = tpu.memref_slice %arg7[%dma_wait3A_482, %dma_wait3A_483] : memref<17x512xf32, #tpu.memory_space<vmem>> -> memref<1x512xf32, #tpu.memory_space<vmem>>
    %dma_wait3A_485 = tpu.memref_squeeze %dma_wait3A_484 : memref<1x512xf32, #tpu.memory_space<vmem>> -> memref<512xf32, #tpu.memory_space<vmem>>
    %dma_wait3A_486 = arith.constant 0 : i32
    %dma_wait3A_487 = tpu.memref_slice %arg4[%dma_wait3A_481, %dma_wait3A_486] : memref<16x100000xf32, #tpu.memory_space<hbm>> -> memref<1x100000xf32, #tpu.memory_space<hbm>>
    %dma_wait3A_488 = tpu.memref_squeeze %dma_wait3A_487 : memref<1x100000xf32, #tpu.memory_space<hbm>> -> memref<100000xf32, #tpu.memory_space<hbm>>
    %dma_wait3A_489 = arith.constant 0 : i32
    %dma_wait3A_490 = tpu.memref_slice %dma_wait3A_488[%dma_wait3A_489] : memref<100000xf32, #tpu.memory_space<hbm>> -> memref<100000xf32, #tpu.memory_space<hbm>>
    tpu.wait_indirect_dma semaphore(%arg8 : memref<!tpu.dma_semaphore, #tpu.memory_space<semaphore_mem>>) src(%dma_wait3A_490 : memref<100000xf32, #tpu.memory_space<hbm>>) dst(%dma_wait3A_485 : memref<512xf32, #tpu.memory_space<vmem>>)
    %dma_start3A_491 = arith.constant 15 : i32
    %dma_start3A_492 = arith.constant 15 : i32
    %dma_start3A_493 = arith.constant 0 : i32
    %dma_start3A_494 = tpu.memref_slice %arg7[%dma_start3A_491, %dma_start3A_493] : memref<17x512xf32, #tpu.memory_space<vmem>> -> memref<1x512xf32, #tpu.memory_space<vmem>>
    %dma_start3A_495 = tpu.memref_squeeze %dma_start3A_494 : memref<1x512xf32, #tpu.memory_space<vmem>> -> memref<512xf32, #tpu.memory_space<vmem>>
    %dma_start3A_496 = tpu.memref_slice %arg5[%dma_start3A_492, %mul3A_2] : memref<17x16384xf32, #tpu.memory_space<hbm>> -> memref<1x512xf32, #tpu.memory_space<hbm>>
    %dma_start3A_497 = tpu.memref_squeeze %dma_start3A_496 : memref<1x512xf32, #tpu.memory_space<hbm>> -> memref<512xf32, #tpu.memory_space<hbm>>
    %dma_start3A_498 = tpu.memref_slice %arg5[%dma_start3A_492, %mul3A_2] : memref<17x16384xf32, #tpu.memory_space<hbm>> -> memref<1x512xf32, #tpu.memory_space<hbm>>
    %dma_start3A_499 = tpu.memref_squeeze %dma_start3A_498 : memref<1x512xf32, #tpu.memory_space<hbm>> -> memref<512xf32, #tpu.memory_space<hbm>>
    %dma_start3A_500 = arith.constant 0 : i32
    %dma_start3A_501 = tpu.memref_slice %arg7[%dma_start3A_491, %dma_start3A_500] : memref<17x512xf32, #tpu.memory_space<vmem>> -> memref<1x512xf32, #tpu.memory_space<vmem>>
    %dma_start3A_502 = tpu.memref_squeeze %dma_start3A_501 : memref<1x512xf32, #tpu.memory_space<vmem>> -> memref<512xf32, #tpu.memory_space<vmem>>
    tpu.enqueue_dma source(%dma_start3A_502 : memref<512xf32, #tpu.memory_space<vmem>>) target(%dma_start3A_499 : memref<512xf32, #tpu.memory_space<hbm>>) target_semaphore(%arg9 : memref<!tpu.dma_semaphore, #tpu.memory_space<semaphore_mem>>)
    %dma_wait3A_503 = arith.constant 15 : i32
    %dma_wait3A_504 = arith.constant 16 : i32
    %dma_wait3A_505 = arith.constant 0 : i32
    %dma_wait3A_506 = tpu.memref_slice %arg7[%dma_wait3A_504, %dma_wait3A_505] : memref<17x512xf32, #tpu.memory_space<vmem>> -> memref<1x512xf32, #tpu.memory_space<vmem>>
    %dma_wait3A_507 = tpu.memref_squeeze %dma_wait3A_506 : memref<1x512xf32, #tpu.memory_space<vmem>> -> memref<512xf32, #tpu.memory_space<vmem>>
    %dma_wait3A_508 = arith.constant 0 : i32
    %dma_wait3A_509 = tpu.memref_slice %arg4[%dma_wait3A_503, %dma_wait3A_508] : memref<16x100000xf32, #tpu.memory_space<hbm>> -> memref<1x100000xf32, #tpu.memory_space<hbm>>
    %dma_wait3A_510 = tpu.memref_squeeze %dma_wait3A_509 : memref<1x100000xf32, #tpu.memory_space<hbm>> -> memref<100000xf32, #tpu.memory_space<hbm>>
    %dma_wait3A_511 = arith.constant 0 : i32
    %dma_wait3A_512 = tpu.memref_slice %dma_wait3A_510[%dma_wait3A_511] : memref<100000xf32, #tpu.memory_space<hbm>> -> memref<100000xf32, #tpu.memory_space<hbm>>
    tpu.wait_indirect_dma semaphore(%arg8 : memref<!tpu.dma_semaphore, #tpu.memory_space<semaphore_mem>>) src(%dma_wait3A_512 : memref<100000xf32, #tpu.memory_space<hbm>>) dst(%dma_wait3A_507 : memref<512xf32, #tpu.memory_space<vmem>>)
    %dma_start3A_513 = arith.constant 16 : i32
    %dma_start3A_514 = arith.constant 16 : i32
    %dma_start3A_515 = arith.constant 0 : i32
    %dma_start3A_516 = tpu.memref_slice %arg7[%dma_start3A_513, %dma_start3A_515] : memref<17x512xf32, #tpu.memory_space<vmem>> -> memref<1x512xf32, #tpu.memory_space<vmem>>
    %dma_start3A_517 = tpu.memref_squeeze %dma_start3A_516 : memref<1x512xf32, #tpu.memory_space<vmem>> -> memref<512xf32, #tpu.memory_space<vmem>>
    %dma_start3A_518 = tpu.memref_slice %arg5[%dma_start3A_514, %mul3A_2] : memref<17x16384xf32, #tpu.memory_space<hbm>> -> memref<1x512xf32, #tpu.memory_space<hbm>>
    %dma_start3A_519 = tpu.memref_squeeze %dma_start3A_518 : memref<1x512xf32, #tpu.memory_space<hbm>> -> memref<512xf32, #tpu.memory_space<hbm>>
    %dma_start3A_520 = tpu.memref_slice %arg5[%dma_start3A_514, %mul3A_2] : memref<17x16384xf32, #tpu.memory_space<hbm>> -> memref<1x512xf32, #tpu.memory_space<hbm>>
    %dma_start3A_521 = tpu.memref_squeeze %dma_start3A_520 : memref<1x512xf32, #tpu.memory_space<hbm>> -> memref<512xf32, #tpu.memory_space<hbm>>
    %dma_start3A_522 = arith.constant 0 : i32
    %dma_start3A_523 = tpu.memref_slice %arg7[%dma_start3A_513, %dma_start3A_522] : memref<17x512xf32, #tpu.memory_space<vmem>> -> memref<1x512xf32, #tpu.memory_space<vmem>>
    %dma_start3A_524 = tpu.memref_squeeze %dma_start3A_523 : memref<1x512xf32, #tpu.memory_space<vmem>> -> memref<512xf32, #tpu.memory_space<vmem>>
    tpu.enqueue_dma source(%dma_start3A_524 : memref<512xf32, #tpu.memory_space<vmem>>) target(%dma_start3A_521 : memref<512xf32, #tpu.memory_space<hbm>>) target_semaphore(%arg9 : memref<!tpu.dma_semaphore, #tpu.memory_space<semaphore_mem>>)
    %dma_wait3A_525 = arith.constant 0 : i32
    %dma_wait3A_526 = arith.constant 0 : i32
    %dma_wait3A_527 = arith.constant 0 : i32
    %dma_wait3A_528 = tpu.memref_slice %arg7[%dma_wait3A_525, %dma_wait3A_527] : memref<17x512xf32, #tpu.memory_space<vmem>> -> memref<1x512xf32, #tpu.memory_space<vmem>>
    %dma_wait3A_529 = tpu.memref_squeeze %dma_wait3A_528 : memref<1x512xf32, #tpu.memory_space<vmem>> -> memref<512xf32, #tpu.memory_space<vmem>>
    %dma_wait3A_530 = tpu.memref_slice %arg5[%dma_wait3A_526, %mul3A_2] : memref<17x16384xf32, #tpu.memory_space<hbm>> -> memref<1x512xf32, #tpu.memory_space<hbm>>
    %dma_wait3A_531 = tpu.memref_squeeze %dma_wait3A_530 : memref<1x512xf32, #tpu.memory_space<hbm>> -> memref<512xf32, #tpu.memory_space<hbm>>
    %dma_wait3A_532 = tpu.memref_slice %arg5[%dma_wait3A_526, %mul3A_2] : memref<17x16384xf32, #tpu.memory_space<hbm>> -> memref<1x512xf32, #tpu.memory_space<hbm>>
    %dma_wait3A_533 = tpu.memref_squeeze %dma_wait3A_532 : memref<1x512xf32, #tpu.memory_space<hbm>> -> memref<512xf32, #tpu.memory_space<hbm>>
    %dma_wait3A_534 = arith.constant 0 : i32
    %dma_wait3A_535 = tpu.memref_slice %arg7[%dma_wait3A_525, %dma_wait3A_534] : memref<17x512xf32, #tpu.memory_space<vmem>> -> memref<1x512xf32, #tpu.memory_space<vmem>>
    %dma_wait3A_536 = tpu.memref_squeeze %dma_wait3A_535 : memref<1x512xf32, #tpu.memory_space<vmem>> -> memref<512xf32, #tpu.memory_space<vmem>>
    tpu.wait_dma2 semaphore(%arg9 : memref<!tpu.dma_semaphore, #tpu.memory_space<semaphore_mem>>) src(%dma_wait3A_536 : memref<512xf32, #tpu.memory_space<vmem>>) dst(%dma_wait3A_533 : memref<512xf32, #tpu.memory_space<hbm>>)
    %dma_wait3A_537 = arith.constant 1 : i32
    %dma_wait3A_538 = arith.constant 1 : i32
    %dma_wait3A_539 = arith.constant 0 : i32
    %dma_wait3A_540 = tpu.memref_slice %arg7[%dma_wait3A_537, %dma_wait3A_539] : memref<17x512xf32, #tpu.memory_space<vmem>> -> memref<1x512xf32, #tpu.memory_space<vmem>>
    %dma_wait3A_541 = tpu.memref_squeeze %dma_wait3A_540 : memref<1x512xf32, #tpu.memory_space<vmem>> -> memref<512xf32, #tpu.memory_space<vmem>>
    %dma_wait3A_542 = tpu.memref_slice %arg5[%dma_wait3A_538, %mul3A_2] : memref<17x16384xf32, #tpu.memory_space<hbm>> -> memref<1x512xf32, #tpu.memory_space<hbm>>
    %dma_wait3A_543 = tpu.memref_squeeze %dma_wait3A_542 : memref<1x512xf32, #tpu.memory_space<hbm>> -> memref<512xf32, #tpu.memory_space<hbm>>
    %dma_wait3A_544 = tpu.memref_slice %arg5[%dma_wait3A_538, %mul3A_2] : memref<17x16384xf32, #tpu.memory_space<hbm>> -> memref<1x512xf32, #tpu.memory_space<hbm>>
    %dma_wait3A_545 = tpu.memref_squeeze %dma_wait3A_544 : memref<1x512xf32, #tpu.memory_space<hbm>> -> memref<512xf32, #tpu.memory_space<hbm>>
    %dma_wait3A_546 = arith.constant 0 : i32
    %dma_wait3A_547 = tpu.memref_slice %arg7[%dma_wait3A_537, %dma_wait3A_546] : memref<17x512xf32, #tpu.memory_space<vmem>> -> memref<1x512xf32, #tpu.memory_space<vmem>>
    %dma_wait3A_548 = tpu.memref_squeeze %dma_wait3A_547 : memref<1x512xf32, #tpu.memory_space<vmem>> -> memref<512xf32, #tpu.memory_space<vmem>>
    tpu.wait_dma2 semaphore(%arg9 : memref<!tpu.dma_semaphore, #tpu.memory_space<semaphore_mem>>) src(%dma_wait3A_548 : memref<512xf32, #tpu.memory_space<vmem>>) dst(%dma_wait3A_545 : memref<512xf32, #tpu.memory_space<hbm>>)
    %dma_wait3A_549 = arith.constant 2 : i32
    %dma_wait3A_550 = arith.constant 2 : i32
    %dma_wait3A_551 = arith.constant 0 : i32
    %dma_wait3A_552 = tpu.memref_slice %arg7[%dma_wait3A_549, %dma_wait3A_551] : memref<17x512xf32, #tpu.memory_space<vmem>> -> memref<1x512xf32, #tpu.memory_space<vmem>>
    %dma_wait3A_553 = tpu.memref_squeeze %dma_wait3A_552 : memref<1x512xf32, #tpu.memory_space<vmem>> -> memref<512xf32, #tpu.memory_space<vmem>>
    %dma_wait3A_554 = tpu.memref_slice %arg5[%dma_wait3A_550, %mul3A_2] : memref<17x16384xf32, #tpu.memory_space<hbm>> -> memref<1x512xf32, #tpu.memory_space<hbm>>
    %dma_wait3A_555 = tpu.memref_squeeze %dma_wait3A_554 : memref<1x512xf32, #tpu.memory_space<hbm>> -> memref<512xf32, #tpu.memory_space<hbm>>
    %dma_wait3A_556 = tpu.memref_slice %arg5[%dma_wait3A_550, %mul3A_2] : memref<17x16384xf32, #tpu.memory_space<hbm>> -> memref<1x512xf32, #tpu.memory_space<hbm>>
    %dma_wait3A_557 = tpu.memref_squeeze %dma_wait3A_556 : memref<1x512xf32, #tpu.memory_space<hbm>> -> memref<512xf32, #tpu.memory_space<hbm>>
    %dma_wait3A_558 = arith.constant 0 : i32
    %dma_wait3A_559 = tpu.memref_slice %arg7[%dma_wait3A_549, %dma_wait3A_558] : memref<17x512xf32, #tpu.memory_space<vmem>> -> memref<1x512xf32, #tpu.memory_space<vmem>>
    %dma_wait3A_560 = tpu.memref_squeeze %dma_wait3A_559 : memref<1x512xf32, #tpu.memory_space<vmem>> -> memref<512xf32, #tpu.memory_space<vmem>>
    tpu.wait_dma2 semaphore(%arg9 : memref<!tpu.dma_semaphore, #tpu.memory_space<semaphore_mem>>) src(%dma_wait3A_560 : memref<512xf32, #tpu.memory_space<vmem>>) dst(%dma_wait3A_557 : memref<512xf32, #tpu.memory_space<hbm>>)
    %dma_wait3A_561 = arith.constant 3 : i32
    %dma_wait3A_562 = arith.constant 3 : i32
    %dma_wait3A_563 = arith.constant 0 : i32
    %dma_wait3A_564 = tpu.memref_slice %arg7[%dma_wait3A_561, %dma_wait3A_563] : memref<17x512xf32, #tpu.memory_space<vmem>> -> memref<1x512xf32, #tpu.memory_space<vmem>>
    %dma_wait3A_565 = tpu.memref_squeeze %dma_wait3A_564 : memref<1x512xf32, #tpu.memory_space<vmem>> -> memref<512xf32, #tpu.memory_space<vmem>>
    %dma_wait3A_566 = tpu.memref_slice %arg5[%dma_wait3A_562, %mul3A_2] : memref<17x16384xf32, #tpu.memory_space<hbm>> -> memref<1x512xf32, #tpu.memory_space<hbm>>
    %dma_wait3A_567 = tpu.memref_squeeze %dma_wait3A_566 : memref<1x512xf32, #tpu.memory_space<hbm>> -> memref<512xf32, #tpu.memory_space<hbm>>
    %dma_wait3A_568 = tpu.memref_slice %arg5[%dma_wait3A_562, %mul3A_2] : memref<17x16384xf32, #tpu.memory_space<hbm>> -> memref<1x512xf32, #tpu.memory_space<hbm>>
    %dma_wait3A_569 = tpu.memref_squeeze %dma_wait3A_568 : memref<1x512xf32, #tpu.memory_space<hbm>> -> memref<512xf32, #tpu.memory_space<hbm>>
    %dma_wait3A_570 = arith.constant 0 : i32
    %dma_wait3A_571 = tpu.memref_slice %arg7[%dma_wait3A_561, %dma_wait3A_570] : memref<17x512xf32, #tpu.memory_space<vmem>> -> memref<1x512xf32, #tpu.memory_space<vmem>>
    %dma_wait3A_572 = tpu.memref_squeeze %dma_wait3A_571 : memref<1x512xf32, #tpu.memory_space<vmem>> -> memref<512xf32, #tpu.memory_space<vmem>>
    tpu.wait_dma2 semaphore(%arg9 : memref<!tpu.dma_semaphore, #tpu.memory_space<semaphore_mem>>) src(%dma_wait3A_572 : memref<512xf32, #tpu.memory_space<vmem>>) dst(%dma_wait3A_569 : memref<512xf32, #tpu.memory_space<hbm>>)
    %dma_wait3A_573 = arith.constant 4 : i32
    %dma_wait3A_574 = arith.constant 4 : i32
    %dma_wait3A_575 = arith.constant 0 : i32
    %dma_wait3A_576 = tpu.memref_slice %arg7[%dma_wait3A_573, %dma_wait3A_575] : memref<17x512xf32, #tpu.memory_space<vmem>> -> memref<1x512xf32, #tpu.memory_space<vmem>>
    %dma_wait3A_577 = tpu.memref_squeeze %dma_wait3A_576 : memref<1x512xf32, #tpu.memory_space<vmem>> -> memref<512xf32, #tpu.memory_space<vmem>>
    %dma_wait3A_578 = tpu.memref_slice %arg5[%dma_wait3A_574, %mul3A_2] : memref<17x16384xf32, #tpu.memory_space<hbm>> -> memref<1x512xf32, #tpu.memory_space<hbm>>
    %dma_wait3A_579 = tpu.memref_squeeze %dma_wait3A_578 : memref<1x512xf32, #tpu.memory_space<hbm>> -> memref<512xf32, #tpu.memory_space<hbm>>
    %dma_wait3A_580 = tpu.memref_slice %arg5[%dma_wait3A_574, %mul3A_2] : memref<17x16384xf32, #tpu.memory_space<hbm>> -> memref<1x512xf32, #tpu.memory_space<hbm>>
    %dma_wait3A_581 = tpu.memref_squeeze %dma_wait3A_580 : memref<1x512xf32, #tpu.memory_space<hbm>> -> memref<512xf32, #tpu.memory_space<hbm>>
    %dma_wait3A_582 = arith.constant 0 : i32
    %dma_wait3A_583 = tpu.memref_slice %arg7[%dma_wait3A_573, %dma_wait3A_582] : memref<17x512xf32, #tpu.memory_space<vmem>> -> memref<1x512xf32, #tpu.memory_space<vmem>>
    %dma_wait3A_584 = tpu.memref_squeeze %dma_wait3A_583 : memref<1x512xf32, #tpu.memory_space<vmem>> -> memref<512xf32, #tpu.memory_space<vmem>>
    tpu.wait_dma2 semaphore(%arg9 : memref<!tpu.dma_semaphore, #tpu.memory_space<semaphore_mem>>) src(%dma_wait3A_584 : memref<512xf32, #tpu.memory_space<vmem>>) dst(%dma_wait3A_581 : memref<512xf32, #tpu.memory_space<hbm>>)
    %dma_wait3A_585 = arith.constant 5 : i32
    %dma_wait3A_586 = arith.constant 5 : i32
    %dma_wait3A_587 = arith.constant 0 : i32
    %dma_wait3A_588 = tpu.memref_slice %arg7[%dma_wait3A_585, %dma_wait3A_587] : memref<17x512xf32, #tpu.memory_space<vmem>> -> memref<1x512xf32, #tpu.memory_space<vmem>>
    %dma_wait3A_589 = tpu.memref_squeeze %dma_wait3A_588 : memref<1x512xf32, #tpu.memory_space<vmem>> -> memref<512xf32, #tpu.memory_space<vmem>>
    %dma_wait3A_590 = tpu.memref_slice %arg5[%dma_wait3A_586, %mul3A_2] : memref<17x16384xf32, #tpu.memory_space<hbm>> -> memref<1x512xf32, #tpu.memory_space<hbm>>
    %dma_wait3A_591 = tpu.memref_squeeze %dma_wait3A_590 : memref<1x512xf32, #tpu.memory_space<hbm>> -> memref<512xf32, #tpu.memory_space<hbm>>
    %dma_wait3A_592 = tpu.memref_slice %arg5[%dma_wait3A_586, %mul3A_2] : memref<17x16384xf32, #tpu.memory_space<hbm>> -> memref<1x512xf32, #tpu.memory_space<hbm>>
    %dma_wait3A_593 = tpu.memref_squeeze %dma_wait3A_592 : memref<1x512xf32, #tpu.memory_space<hbm>> -> memref<512xf32, #tpu.memory_space<hbm>>
    %dma_wait3A_594 = arith.constant 0 : i32
    %dma_wait3A_595 = tpu.memref_slice %arg7[%dma_wait3A_585, %dma_wait3A_594] : memref<17x512xf32, #tpu.memory_space<vmem>> -> memref<1x512xf32, #tpu.memory_space<vmem>>
    %dma_wait3A_596 = tpu.memref_squeeze %dma_wait3A_595 : memref<1x512xf32, #tpu.memory_space<vmem>> -> memref<512xf32, #tpu.memory_space<vmem>>
    tpu.wait_dma2 semaphore(%arg9 : memref<!tpu.dma_semaphore, #tpu.memory_space<semaphore_mem>>) src(%dma_wait3A_596 : memref<512xf32, #tpu.memory_space<vmem>>) dst(%dma_wait3A_593 : memref<512xf32, #tpu.memory_space<hbm>>)
    %dma_wait3A_597 = arith.constant 6 : i32
    %dma_wait3A_598 = arith.constant 6 : i32
    %dma_wait3A_599 = arith.constant 0 : i32
    %dma_wait3A_600 = tpu.memref_slice %arg7[%dma_wait3A_597, %dma_wait3A_599] : memref<17x512xf32, #tpu.memory_space<vmem>> -> memref<1x512xf32, #tpu.memory_space<vmem>>
    %dma_wait3A_601 = tpu.memref_squeeze %dma_wait3A_600 : memref<1x512xf32, #tpu.memory_space<vmem>> -> memref<512xf32, #tpu.memory_space<vmem>>
    %dma_wait3A_602 = tpu.memref_slice %arg5[%dma_wait3A_598, %mul3A_2] : memref<17x16384xf32, #tpu.memory_space<hbm>> -> memref<1x512xf32, #tpu.memory_space<hbm>>
    %dma_wait3A_603 = tpu.memref_squeeze %dma_wait3A_602 : memref<1x512xf32, #tpu.memory_space<hbm>> -> memref<512xf32, #tpu.memory_space<hbm>>
    %dma_wait3A_604 = tpu.memref_slice %arg5[%dma_wait3A_598, %mul3A_2] : memref<17x16384xf32, #tpu.memory_space<hbm>> -> memref<1x512xf32, #tpu.memory_space<hbm>>
    %dma_wait3A_605 = tpu.memref_squeeze %dma_wait3A_604 : memref<1x512xf32, #tpu.memory_space<hbm>> -> memref<512xf32, #tpu.memory_space<hbm>>
    %dma_wait3A_606 = arith.constant 0 : i32
    %dma_wait3A_607 = tpu.memref_slice %arg7[%dma_wait3A_597, %dma_wait3A_606] : memref<17x512xf32, #tpu.memory_space<vmem>> -> memref<1x512xf32, #tpu.memory_space<vmem>>
    %dma_wait3A_608 = tpu.memref_squeeze %dma_wait3A_607 : memref<1x512xf32, #tpu.memory_space<vmem>> -> memref<512xf32, #tpu.memory_space<vmem>>
    tpu.wait_dma2 semaphore(%arg9 : memref<!tpu.dma_semaphore, #tpu.memory_space<semaphore_mem>>) src(%dma_wait3A_608 : memref<512xf32, #tpu.memory_space<vmem>>) dst(%dma_wait3A_605 : memref<512xf32, #tpu.memory_space<hbm>>)
    %dma_wait3A_609 = arith.constant 7 : i32
    %dma_wait3A_610 = arith.constant 7 : i32
    %dma_wait3A_611 = arith.constant 0 : i32
    %dma_wait3A_612 = tpu.memref_slice %arg7[%dma_wait3A_609, %dma_wait3A_611] : memref<17x512xf32, #tpu.memory_space<vmem>> -> memref<1x512xf32, #tpu.memory_space<vmem>>
    %dma_wait3A_613 = tpu.memref_squeeze %dma_wait3A_612 : memref<1x512xf32, #tpu.memory_space<vmem>> -> memref<512xf32, #tpu.memory_space<vmem>>
    %dma_wait3A_614 = tpu.memref_slice %arg5[%dma_wait3A_610, %mul3A_2] : memref<17x16384xf32, #tpu.memory_space<hbm>> -> memref<1x512xf32, #tpu.memory_space<hbm>>
    %dma_wait3A_615 = tpu.memref_squeeze %dma_wait3A_614 : memref<1x512xf32, #tpu.memory_space<hbm>> -> memref<512xf32, #tpu.memory_space<hbm>>
    %dma_wait3A_616 = tpu.memref_slice %arg5[%dma_wait3A_610, %mul3A_2] : memref<17x16384xf32, #tpu.memory_space<hbm>> -> memref<1x512xf32, #tpu.memory_space<hbm>>
    %dma_wait3A_617 = tpu.memref_squeeze %dma_wait3A_616 : memref<1x512xf32, #tpu.memory_space<hbm>> -> memref<512xf32, #tpu.memory_space<hbm>>
    %dma_wait3A_618 = arith.constant 0 : i32
    %dma_wait3A_619 = tpu.memref_slice %arg7[%dma_wait3A_609, %dma_wait3A_618] : memref<17x512xf32, #tpu.memory_space<vmem>> -> memref<1x512xf32, #tpu.memory_space<vmem>>
    %dma_wait3A_620 = tpu.memref_squeeze %dma_wait3A_619 : memref<1x512xf32, #tpu.memory_space<vmem>> -> memref<512xf32, #tpu.memory_space<vmem>>
    tpu.wait_dma2 semaphore(%arg9 : memref<!tpu.dma_semaphore, #tpu.memory_space<semaphore_mem>>) src(%dma_wait3A_620 : memref<512xf32, #tpu.memory_space<vmem>>) dst(%dma_wait3A_617 : memref<512xf32, #tpu.memory_space<hbm>>)
    %dma_wait3A_621 = arith.constant 8 : i32
    %dma_wait3A_622 = arith.constant 8 : i32
    %dma_wait3A_623 = arith.constant 0 : i32
    %dma_wait3A_624 = tpu.memref_slice %arg7[%dma_wait3A_621, %dma_wait3A_623] : memref<17x512xf32, #tpu.memory_space<vmem>> -> memref<1x512xf32, #tpu.memory_space<vmem>>
    %dma_wait3A_625 = tpu.memref_squeeze %dma_wait3A_624 : memref<1x512xf32, #tpu.memory_space<vmem>> -> memref<512xf32, #tpu.memory_space<vmem>>
    %dma_wait3A_626 = tpu.memref_slice %arg5[%dma_wait3A_622, %mul3A_2] : memref<17x16384xf32, #tpu.memory_space<hbm>> -> memref<1x512xf32, #tpu.memory_space<hbm>>
    %dma_wait3A_627 = tpu.memref_squeeze %dma_wait3A_626 : memref<1x512xf32, #tpu.memory_space<hbm>> -> memref<512xf32, #tpu.memory_space<hbm>>
    %dma_wait3A_628 = tpu.memref_slice %arg5[%dma_wait3A_622, %mul3A_2] : memref<17x16384xf32, #tpu.memory_space<hbm>> -> memref<1x512xf32, #tpu.memory_space<hbm>>
    %dma_wait3A_629 = tpu.memref_squeeze %dma_wait3A_628 : memref<1x512xf32, #tpu.memory_space<hbm>> -> memref<512xf32, #tpu.memory_space<hbm>>
    %dma_wait3A_630 = arith.constant 0 : i32
    %dma_wait3A_631 = tpu.memref_slice %arg7[%dma_wait3A_621, %dma_wait3A_630] : memref<17x512xf32, #tpu.memory_space<vmem>> -> memref<1x512xf32, #tpu.memory_space<vmem>>
    %dma_wait3A_632 = tpu.memref_squeeze %dma_wait3A_631 : memref<1x512xf32, #tpu.memory_space<vmem>> -> memref<512xf32, #tpu.memory_space<vmem>>
    tpu.wait_dma2 semaphore(%arg9 : memref<!tpu.dma_semaphore, #tpu.memory_space<semaphore_mem>>) src(%dma_wait3A_632 : memref<512xf32, #tpu.memory_space<vmem>>) dst(%dma_wait3A_629 : memref<512xf32, #tpu.memory_space<hbm>>)
    %dma_wait3A_633 = arith.constant 9 : i32
    %dma_wait3A_634 = arith.constant 9 : i32
    %dma_wait3A_635 = arith.constant 0 : i32
    %dma_wait3A_636 = tpu.memref_slice %arg7[%dma_wait3A_633, %dma_wait3A_635] : memref<17x512xf32, #tpu.memory_space<vmem>> -> memref<1x512xf32, #tpu.memory_space<vmem>>
    %dma_wait3A_637 = tpu.memref_squeeze %dma_wait3A_636 : memref<1x512xf32, #tpu.memory_space<vmem>> -> memref<512xf32, #tpu.memory_space<vmem>>
    %dma_wait3A_638 = tpu.memref_slice %arg5[%dma_wait3A_634, %mul3A_2] : memref<17x16384xf32, #tpu.memory_space<hbm>> -> memref<1x512xf32, #tpu.memory_space<hbm>>
    %dma_wait3A_639 = tpu.memref_squeeze %dma_wait3A_638 : memref<1x512xf32, #tpu.memory_space<hbm>> -> memref<512xf32, #tpu.memory_space<hbm>>
    %dma_wait3A_640 = tpu.memref_slice %arg5[%dma_wait3A_634, %mul3A_2] : memref<17x16384xf32, #tpu.memory_space<hbm>> -> memref<1x512xf32, #tpu.memory_space<hbm>>
    %dma_wait3A_641 = tpu.memref_squeeze %dma_wait3A_640 : memref<1x512xf32, #tpu.memory_space<hbm>> -> memref<512xf32, #tpu.memory_space<hbm>>
    %dma_wait3A_642 = arith.constant 0 : i32
    %dma_wait3A_643 = tpu.memref_slice %arg7[%dma_wait3A_633, %dma_wait3A_642] : memref<17x512xf32, #tpu.memory_space<vmem>> -> memref<1x512xf32, #tpu.memory_space<vmem>>
    %dma_wait3A_644 = tpu.memref_squeeze %dma_wait3A_643 : memref<1x512xf32, #tpu.memory_space<vmem>> -> memref<512xf32, #tpu.memory_space<vmem>>
    tpu.wait_dma2 semaphore(%arg9 : memref<!tpu.dma_semaphore, #tpu.memory_space<semaphore_mem>>) src(%dma_wait3A_644 : memref<512xf32, #tpu.memory_space<vmem>>) dst(%dma_wait3A_641 : memref<512xf32, #tpu.memory_space<hbm>>)
    %dma_wait3A_645 = arith.constant 10 : i32
    %dma_wait3A_646 = arith.constant 10 : i32
    %dma_wait3A_647 = arith.constant 0 : i32
    %dma_wait3A_648 = tpu.memref_slice %arg7[%dma_wait3A_645, %dma_wait3A_647] : memref<17x512xf32, #tpu.memory_space<vmem>> -> memref<1x512xf32, #tpu.memory_space<vmem>>
    %dma_wait3A_649 = tpu.memref_squeeze %dma_wait3A_648 : memref<1x512xf32, #tpu.memory_space<vmem>> -> memref<512xf32, #tpu.memory_space<vmem>>
    %dma_wait3A_650 = tpu.memref_slice %arg5[%dma_wait3A_646, %mul3A_2] : memref<17x16384xf32, #tpu.memory_space<hbm>> -> memref<1x512xf32, #tpu.memory_space<hbm>>
    %dma_wait3A_651 = tpu.memref_squeeze %dma_wait3A_650 : memref<1x512xf32, #tpu.memory_space<hbm>> -> memref<512xf32, #tpu.memory_space<hbm>>
    %dma_wait3A_652 = tpu.memref_slice %arg5[%dma_wait3A_646, %mul3A_2] : memref<17x16384xf32, #tpu.memory_space<hbm>> -> memref<1x512xf32, #tpu.memory_space<hbm>>
    %dma_wait3A_653 = tpu.memref_squeeze %dma_wait3A_652 : memref<1x512xf32, #tpu.memory_space<hbm>> -> memref<512xf32, #tpu.memory_space<hbm>>
    %dma_wait3A_654 = arith.constant 0 : i32
    %dma_wait3A_655 = tpu.memref_slice %arg7[%dma_wait3A_645, %dma_wait3A_654] : memref<17x512xf32, #tpu.memory_space<vmem>> -> memref<1x512xf32, #tpu.memory_space<vmem>>
    %dma_wait3A_656 = tpu.memref_squeeze %dma_wait3A_655 : memref<1x512xf32, #tpu.memory_space<vmem>> -> memref<512xf32, #tpu.memory_space<vmem>>
    tpu.wait_dma2 semaphore(%arg9 : memref<!tpu.dma_semaphore, #tpu.memory_space<semaphore_mem>>) src(%dma_wait3A_656 : memref<512xf32, #tpu.memory_space<vmem>>) dst(%dma_wait3A_653 : memref<512xf32, #tpu.memory_space<hbm>>)
    %dma_wait3A_657 = arith.constant 11 : i32
    %dma_wait3A_658 = arith.constant 11 : i32
    %dma_wait3A_659 = arith.constant 0 : i32
    %dma_wait3A_660 = tpu.memref_slice %arg7[%dma_wait3A_657, %dma_wait3A_659] : memref<17x512xf32, #tpu.memory_space<vmem>> -> memref<1x512xf32, #tpu.memory_space<vmem>>
    %dma_wait3A_661 = tpu.memref_squeeze %dma_wait3A_660 : memref<1x512xf32, #tpu.memory_space<vmem>> -> memref<512xf32, #tpu.memory_space<vmem>>
    %dma_wait3A_662 = tpu.memref_slice %arg5[%dma_wait3A_658, %mul3A_2] : memref<17x16384xf32, #tpu.memory_space<hbm>> -> memref<1x512xf32, #tpu.memory_space<hbm>>
    %dma_wait3A_663 = tpu.memref_squeeze %dma_wait3A_662 : memref<1x512xf32, #tpu.memory_space<hbm>> -> memref<512xf32, #tpu.memory_space<hbm>>
    %dma_wait3A_664 = tpu.memref_slice %arg5[%dma_wait3A_658, %mul3A_2] : memref<17x16384xf32, #tpu.memory_space<hbm>> -> memref<1x512xf32, #tpu.memory_space<hbm>>
    %dma_wait3A_665 = tpu.memref_squeeze %dma_wait3A_664 : memref<1x512xf32, #tpu.memory_space<hbm>> -> memref<512xf32, #tpu.memory_space<hbm>>
    %dma_wait3A_666 = arith.constant 0 : i32
    %dma_wait3A_667 = tpu.memref_slice %arg7[%dma_wait3A_657, %dma_wait3A_666] : memref<17x512xf32, #tpu.memory_space<vmem>> -> memref<1x512xf32, #tpu.memory_space<vmem>>
    %dma_wait3A_668 = tpu.memref_squeeze %dma_wait3A_667 : memref<1x512xf32, #tpu.memory_space<vmem>> -> memref<512xf32, #tpu.memory_space<vmem>>
    tpu.wait_dma2 semaphore(%arg9 : memref<!tpu.dma_semaphore, #tpu.memory_space<semaphore_mem>>) src(%dma_wait3A_668 : memref<512xf32, #tpu.memory_space<vmem>>) dst(%dma_wait3A_665 : memref<512xf32, #tpu.memory_space<hbm>>)
    %dma_wait3A_669 = arith.constant 12 : i32
    %dma_wait3A_670 = arith.constant 12 : i32
    %dma_wait3A_671 = arith.constant 0 : i32
    %dma_wait3A_672 = tpu.memref_slice %arg7[%dma_wait3A_669, %dma_wait3A_671] : memref<17x512xf32, #tpu.memory_space<vmem>> -> memref<1x512xf32, #tpu.memory_space<vmem>>
    %dma_wait3A_673 = tpu.memref_squeeze %dma_wait3A_672 : memref<1x512xf32, #tpu.memory_space<vmem>> -> memref<512xf32, #tpu.memory_space<vmem>>
    %dma_wait3A_674 = tpu.memref_slice %arg5[%dma_wait3A_670, %mul3A_2] : memref<17x16384xf32, #tpu.memory_space<hbm>> -> memref<1x512xf32, #tpu.memory_space<hbm>>
    %dma_wait3A_675 = tpu.memref_squeeze %dma_wait3A_674 : memref<1x512xf32, #tpu.memory_space<hbm>> -> memref<512xf32, #tpu.memory_space<hbm>>
    %dma_wait3A_676 = tpu.memref_slice %arg5[%dma_wait3A_670, %mul3A_2] : memref<17x16384xf32, #tpu.memory_space<hbm>> -> memref<1x512xf32, #tpu.memory_space<hbm>>
    %dma_wait3A_677 = tpu.memref_squeeze %dma_wait3A_676 : memref<1x512xf32, #tpu.memory_space<hbm>> -> memref<512xf32, #tpu.memory_space<hbm>>
    %dma_wait3A_678 = arith.constant 0 : i32
    %dma_wait3A_679 = tpu.memref_slice %arg7[%dma_wait3A_669, %dma_wait3A_678] : memref<17x512xf32, #tpu.memory_space<vmem>> -> memref<1x512xf32, #tpu.memory_space<vmem>>
    %dma_wait3A_680 = tpu.memref_squeeze %dma_wait3A_679 : memref<1x512xf32, #tpu.memory_space<vmem>> -> memref<512xf32, #tpu.memory_space<vmem>>
    tpu.wait_dma2 semaphore(%arg9 : memref<!tpu.dma_semaphore, #tpu.memory_space<semaphore_mem>>) src(%dma_wait3A_680 : memref<512xf32, #tpu.memory_space<vmem>>) dst(%dma_wait3A_677 : memref<512xf32, #tpu.memory_space<hbm>>)
    %dma_wait3A_681 = arith.constant 13 : i32
    %dma_wait3A_682 = arith.constant 13 : i32
    %dma_wait3A_683 = arith.constant 0 : i32
    %dma_wait3A_684 = tpu.memref_slice %arg7[%dma_wait3A_681, %dma_wait3A_683] : memref<17x512xf32, #tpu.memory_space<vmem>> -> memref<1x512xf32, #tpu.memory_space<vmem>>
    %dma_wait3A_685 = tpu.memref_squeeze %dma_wait3A_684 : memref<1x512xf32, #tpu.memory_space<vmem>> -> memref<512xf32, #tpu.memory_space<vmem>>
    %dma_wait3A_686 = tpu.memref_slice %arg5[%dma_wait3A_682, %mul3A_2] : memref<17x16384xf32, #tpu.memory_space<hbm>> -> memref<1x512xf32, #tpu.memory_space<hbm>>
    %dma_wait3A_687 = tpu.memref_squeeze %dma_wait3A_686 : memref<1x512xf32, #tpu.memory_space<hbm>> -> memref<512xf32, #tpu.memory_space<hbm>>
    %dma_wait3A_688 = tpu.memref_slice %arg5[%dma_wait3A_682, %mul3A_2] : memref<17x16384xf32, #tpu.memory_space<hbm>> -> memref<1x512xf32, #tpu.memory_space<hbm>>
    %dma_wait3A_689 = tpu.memref_squeeze %dma_wait3A_688 : memref<1x512xf32, #tpu.memory_space<hbm>> -> memref<512xf32, #tpu.memory_space<hbm>>
    %dma_wait3A_690 = arith.constant 0 : i32
    %dma_wait3A_691 = tpu.memref_slice %arg7[%dma_wait3A_681, %dma_wait3A_690] : memref<17x512xf32, #tpu.memory_space<vmem>> -> memref<1x512xf32, #tpu.memory_space<vmem>>
    %dma_wait3A_692 = tpu.memref_squeeze %dma_wait3A_691 : memref<1x512xf32, #tpu.memory_space<vmem>> -> memref<512xf32, #tpu.memory_space<vmem>>
    tpu.wait_dma2 semaphore(%arg9 : memref<!tpu.dma_semaphore, #tpu.memory_space<semaphore_mem>>) src(%dma_wait3A_692 : memref<512xf32, #tpu.memory_space<vmem>>) dst(%dma_wait3A_689 : memref<512xf32, #tpu.memory_space<hbm>>)
    %dma_wait3A_693 = arith.constant 14 : i32
    %dma_wait3A_694 = arith.constant 14 : i32
    %dma_wait3A_695 = arith.constant 0 : i32
    %dma_wait3A_696 = tpu.memref_slice %arg7[%dma_wait3A_693, %dma_wait3A_695] : memref<17x512xf32, #tpu.memory_space<vmem>> -> memref<1x512xf32, #tpu.memory_space<vmem>>
    %dma_wait3A_697 = tpu.memref_squeeze %dma_wait3A_696 : memref<1x512xf32, #tpu.memory_space<vmem>> -> memref<512xf32, #tpu.memory_space<vmem>>
    %dma_wait3A_698 = tpu.memref_slice %arg5[%dma_wait3A_694, %mul3A_2] : memref<17x16384xf32, #tpu.memory_space<hbm>> -> memref<1x512xf32, #tpu.memory_space<hbm>>
    %dma_wait3A_699 = tpu.memref_squeeze %dma_wait3A_698 : memref<1x512xf32, #tpu.memory_space<hbm>> -> memref<512xf32, #tpu.memory_space<hbm>>
    %dma_wait3A_700 = tpu.memref_slice %arg5[%dma_wait3A_694, %mul3A_2] : memref<17x16384xf32, #tpu.memory_space<hbm>> -> memref<1x512xf32, #tpu.memory_space<hbm>>
    %dma_wait3A_701 = tpu.memref_squeeze %dma_wait3A_700 : memref<1x512xf32, #tpu.memory_space<hbm>> -> memref<512xf32, #tpu.memory_space<hbm>>
    %dma_wait3A_702 = arith.constant 0 : i32
    %dma_wait3A_703 = tpu.memref_slice %arg7[%dma_wait3A_693, %dma_wait3A_702] : memref<17x512xf32, #tpu.memory_space<vmem>> -> memref<1x512xf32, #tpu.memory_space<vmem>>
    %dma_wait3A_704 = tpu.memref_squeeze %dma_wait3A_703 : memref<1x512xf32, #tpu.memory_space<vmem>> -> memref<512xf32, #tpu.memory_space<vmem>>
    tpu.wait_dma2 semaphore(%arg9 : memref<!tpu.dma_semaphore, #tpu.memory_space<semaphore_mem>>) src(%dma_wait3A_704 : memref<512xf32, #tpu.memory_space<vmem>>) dst(%dma_wait3A_701 : memref<512xf32, #tpu.memory_space<hbm>>)
    %dma_wait3A_705 = arith.constant 15 : i32
    %dma_wait3A_706 = arith.constant 15 : i32
    %dma_wait3A_707 = arith.constant 0 : i32
    %dma_wait3A_708 = tpu.memref_slice %arg7[%dma_wait3A_705, %dma_wait3A_707] : memref<17x512xf32, #tpu.memory_space<vmem>> -> memref<1x512xf32, #tpu.memory_space<vmem>>
    %dma_wait3A_709 = tpu.memref_squeeze %dma_wait3A_708 : memref<1x512xf32, #tpu.memory_space<vmem>> -> memref<512xf32, #tpu.memory_space<vmem>>
    %dma_wait3A_710 = tpu.memref_slice %arg5[%dma_wait3A_706, %mul3A_2] : memref<17x16384xf32, #tpu.memory_space<hbm>> -> memref<1x512xf32, #tpu.memory_space<hbm>>
    %dma_wait3A_711 = tpu.memref_squeeze %dma_wait3A_710 : memref<1x512xf32, #tpu.memory_space<hbm>> -> memref<512xf32, #tpu.memory_space<hbm>>
    %dma_wait3A_712 = tpu.memref_slice %arg5[%dma_wait3A_706, %mul3A_2] : memref<17x16384xf32, #tpu.memory_space<hbm>> -> memref<1x512xf32, #tpu.memory_space<hbm>>
    %dma_wait3A_713 = tpu.memref_squeeze %dma_wait3A_712 : memref<1x512xf32, #tpu.memory_space<hbm>> -> memref<512xf32, #tpu.memory_space<hbm>>
    %dma_wait3A_714 = arith.constant 0 : i32
    %dma_wait3A_715 = tpu.memref_slice %arg7[%dma_wait3A_705, %dma_wait3A_714] : memref<17x512xf32, #tpu.memory_space<vmem>> -> memref<1x512xf32, #tpu.memory_space<vmem>>
    %dma_wait3A_716 = tpu.memref_squeeze %dma_wait3A_715 : memref<1x512xf32, #tpu.memory_space<vmem>> -> memref<512xf32, #tpu.memory_space<vmem>>
    tpu.wait_dma2 semaphore(%arg9 : memref<!tpu.dma_semaphore, #tpu.memory_space<semaphore_mem>>) src(%dma_wait3A_716 : memref<512xf32, #tpu.memory_space<vmem>>) dst(%dma_wait3A_713 : memref<512xf32, #tpu.memory_space<hbm>>)
    %dma_wait3A_717 = arith.constant 16 : i32
    %dma_wait3A_718 = arith.constant 16 : i32
    %dma_wait3A_719 = arith.constant 0 : i32
    %dma_wait3A_720 = tpu.memref_slice %arg7[%dma_wait3A_717, %dma_wait3A_719] : memref<17x512xf32, #tpu.memory_space<vmem>> -> memref<1x512xf32, #tpu.memory_space<vmem>>
    %dma_wait3A_721 = tpu.memref_squeeze %dma_wait3A_720 : memref<1x512xf32, #tpu.memory_space<vmem>> -> memref<512xf32, #tpu.memory_space<vmem>>
    %dma_wait3A_722 = tpu.memref_slice %arg5[%dma_wait3A_718, %mul3A_2] : memref<17x16384xf32, #tpu.memory_space<hbm>> -> memref<1x512xf32, #tpu.memory_space<hbm>>
    %dma_wait3A_723 = tpu.memref_squeeze %dma_wait3A_722 : memref<1x512xf32, #tpu.memory_space<hbm>> -> memref<512xf32, #tpu.memory_space<hbm>>
    %dma_wait3A_724 = tpu.memref_slice %arg5[%dma_wait3A_718, %mul3A_2] : memref<17x16384xf32, #tpu.memory_space<hbm>> -> memref<1x512xf32, #tpu.memory_space<hbm>>
    %dma_wait3A_725 = tpu.memref_squeeze %dma_wait3A_724 : memref<1x512xf32, #tpu.memory_space<hbm>> -> memref<512xf32, #tpu.memory_space<hbm>>
    %dma_wait3A_726 = arith.constant 0 : i32
    %dma_wait3A_727 = tpu.memref_slice %arg7[%dma_wait3A_717, %dma_wait3A_726] : memref<17x512xf32, #tpu.memory_space<vmem>> -> memref<1x512xf32, #tpu.memory_space<vmem>>
    %dma_wait3A_728 = tpu.memref_squeeze %dma_wait3A_727 : memref<1x512xf32, #tpu.memory_space<vmem>> -> memref<512xf32, #tpu.memory_space<vmem>>
    tpu.wait_dma2 semaphore(%arg9 : memref<!tpu.dma_semaphore, #tpu.memory_space<semaphore_mem>>) src(%dma_wait3A_728 : memref<512xf32, #tpu.memory_space<vmem>>) dst(%dma_wait3A_725 : memref<512xf32, #tpu.memory_space<hbm>>)
    return
  }
}

</mosaic_0001>

<sc_bundles>
// kernel: kernel.3.cloned.1.call-start
scs
__scs_entry_jumppad:
0x0: {  	(pc) =	sbr.rel $0x88, $3  }
0x1: {  	(tag) =	ssettag $0x0;
	lr =	simm.s32 $0x1  }
0x2: {  	[smem:$0x3F9E] =	sst lr;
	_ =	strace $0xD0000000  }
0x3: {  	_ = 	snop  }
0x4: {  	_ = 	snop  }
0x5: {  	_ = 	snop  }
0x6: {  	_ = 	snop  }
0x7: {  	_ = 	snop  }
__scs_overlays_trampoline_lowered:
0x8: {  	[smem:$0x3FAD] =	sst s0  }
0x9: {  	[smem:$0x3FAE] =	sst s1  }
0xa: {  	[smem:$0x3FAF] =	sst s2  }
0xb: {  	[smem:$0x3FB0] =	sst s3  }
0xc: {  	[smem:$0x3FB1] =	sst s4  }
0xd: {  	[smem:$0x3FB2] =	sst s5  }
0xe: {  	[smem:$0x3FB3] =	sst s6  }
0xf: {  	[smem:$0x3FB4] =	sst s7  }
0x10: {  	[smem:$0x3FB5] =	sst s8  }
0x11: {  	[smem:$0x3FB6] =	sst s9;
	s0 =	simm.s32 @!p0 $0x0  }
0x12: {  	s1 =	sld [smem:$0x3F9C];
	s0 =	simm.s32 @p0 $0x1  }
0x13: {  	[smem:$0x3FB7] =	sst s0;
	s0 =	simm.s32 @!p1 $0x0  }
0x14: {  	s2 =	sld [smem:$0x3F9B];
	s0 =	simm.s32 @p1 $0x1  }
0x15: {  	[smem:$0x3FB8] =	sst s0;
	s0 =	simm.s32 @!p2 $0x0  }
0x16: {  	s3 =	sld [smem:$0x3FDB];
	s0 =	simm.s32 @p2 $0x1  }
0x17: {  	s4 =	simm.s32 $0x1BF5;
	[smem:$0x3FBA] =	sst s0  }
0x18: {  	s0 =	sld [smem:$0x3F9D];
	_ =	swait.ge [sflag:s4], $0x0  }
0x19: {  	s7 =	sld [smem:$0x3F9E]  }
0x1a: {  	s8 =	sadd.s32 $0xFFFFE003, lr  }
0x1b: {  	s9 =	sadd.s32 $0xFFFFFEF7, lr;
	s5 =	simm.s32 $0xFFFFFFFF;
	p2 =	slt.u32 s8, $0xFFFFF086  }
0x1c: {  	p1 =	slt.u32 s9, $0xF7A;
	s5 =	simm.s32 @!p2 $0x0  }
0x1d: {  	s5 =	simm.s32 @p1 $0x1;
	p0 =	seq.s32 s7, s2  }
0x1e: {  	s7 =	smul.u32 @!p0 $0xF7A, s2;
	p2 =	seq.s32 @!p0 s5, $0x0  }
0x1f: {  	s9 =	smul.u32 $0xF7A, s1;
	s8 =	simm.s32 @!p0 $0x1BF5;
	p2 =	por !p2, p0  }
0x20: {  	[sflag:s8] =	ssyncset.s32 @!p0 $0xFFFFF086;
	s6 =	sadd.s32 @!p0 s3, s7;
	s7 =	simm.s32 @!p0 $0x108  }
0x21: {  	s3 =	sadd.s32 s3, s9;
	s6 =	sadd.s32 @!p0 $0x88, s6;
	s7 =	simm.s32 @p2 $0x1082  }
0x22: {  	[simem:s7], [sflag:s8] =	dma.local @!p0 [hbm:s6], $0xF7A  }
0x23: {  	s9 =	sor.u32 $0xD0000000, s2;
	s6 =	simm.s32 $0x108;
	_ =	swait.ge @!p0 [sflag:s8], $0x0  }
0x24: {  	s3 =	sadd.s32 $0x88, s3;
	s6 =	simm.s32 @!p1 $0x1082;
	[sflag:s4] =	ssyncset.s32 $0xFFFFF086  }
0x25: {  	[simem:s6], [sflag:s4] =	dma.local [hbm:s3], $0xF7A  }
0x26: {  	[smem:$0x3F9E] =	sst s1;
	(tag) =	ssettag s2;
	_ =	strace s9  }
0x27: {  	s1 =	sld [smem:$0x3FAE]  }
0x28: {  	s2 =	sld [smem:$0x3FAF]  }
0x29: {  	s4 =	sld [smem:$0x3FB1]  }
0x2a: {  	p0 =	seq.s32 s5, $0x0;
	s5 =	sld [smem:$0x3FB2]  }
0x2b: {  	s6 =	sld [smem:$0x3FB3]  }
0x2c: {  	s7 =	sld [smem:$0x3FB4]  }
0x2d: {  	s3 =	simm.s32 $0x108;
	s8 =	sld [smem:$0x3FB5]  }
0x2e: {  	s3 =	simm.s32 @!p0 $0x1082;
	s9 =	sld [smem:$0x3FB6]  }
0x2f: {  	lr =	sadd.s32 s0, s3;
	s0 =	sld [smem:$0x3FAD]  }
0x30: {  	s3 =	sld [smem:$0x3FB0]  }
0x31: {  	[smem:$0x3FB9] =	sst s10  }
0x32: {  	s10 =	sld [smem:$0x3FB7];
	_ =	sdelay $0x3  }
0x33: {  	p0 =	seq.s32 s10, $0x1;
	s10 =	sld [smem:$0x3FB9];
	_ =	sdelay $0x3  }
0x34: {  	[smem:$0x3FB9] =	sst s10  }
0x35: {  	s10 =	sld [smem:$0x3FB8];
	_ =	sdelay $0x3  }
0x36: {  	p1 =	seq.s32 s10, $0x1;
	s10 =	sld [smem:$0x3FB9];
	_ =	sdelay $0x3  }
0x37: {  	[smem:$0x3FB9] =	sst s10  }
0x38: {  	s10 =	sld [smem:$0x3FBA]  }
0x39: {  	_ = 	snop;
	(pc) =	sbr.ind lr, $3  }
0x3a: {  	_ = 	snop  }
0x3b: {  	_ = 	snop  }
0x3c: {  	p2 =	seq.s32 s10, $0x1;
	s10 =	sld [smem:$0x3FB9]  }
0x3d: {  	_ =	shalt  }
0x3e: {  	_ =	shalt  }
0x3f: {  	_ =	shalt  }
0x40: {  	_ =	shalt  }
0x41: {  	_ =	shalt  }
0x42: {  	_ =	shalt  }
0x43: {  	_ =	shalt  }
0x44: {  	_ =	shalt  }
0x45: {  	_ =	shalt  }
0x46: {  	_ =	shalt  }
0x47: {  	_ =	shalt  }
0x48: {  	_ =	shalt  }
0x49: {  	_ =	shalt  }
0x4a: {  	_ =	shalt  }
0x4b: {  	_ =	shalt  }
0x4c: {  	_ =	shalt  }
0x4d: {  	_ =	shalt  }
0x4e: {  	_ =	shalt  }
0x4f: {  	_ =	shalt  }
0x50: {  	_ =	shalt  }
0x51: {  	_ =	shalt  }
0x52: {  	_ =	shalt  }
0x53: {  	_ =	shalt  }
0x54: {  	_ =	shalt  }
0x55: {  	_ =	shalt  }
0x56: {  	_ =	shalt  }
0x57: {  	_ =	shalt  }
0x58: {  	_ =	shalt  }
0x59: {  	_ =	shalt  }
0x5a: {  	_ =	shalt  }
0x5b: {  	_ =	shalt  }
0x5c: {  	_ =	shalt  }
0x5d: {  	_ =	shalt  }
0x5e: {  	_ =	shalt  }
0x5f: {  	_ =	shalt  }
0x60: {  	_ =	shalt  }
0x61: {  	_ =	shalt  }
0x62: {  	_ =	shalt  }
0x63: {  	_ =	shalt  }
0x64: {  	_ =	shalt  }
0x65: {  	_ =	shalt  }
0x66: {  	_ =	shalt  }
0x67: {  	_ =	shalt  }
0x68: {  	_ =	shalt  }
0x69: {  	_ =	shalt  }
0x6a: {  	_ =	shalt  }
0x6b: {  	_ =	shalt  }
0x6c: {  	_ =	shalt  }
0x6d: {  	_ =	shalt  }
0x6e: {  	_ =	shalt  }
0x6f: {  	_ =	shalt  }
0x70: {  	_ =	shalt  }
0x71: {  	_ =	shalt  }
0x72: {  	_ =	shalt  }
0x73: {  	_ =	shalt  }
0x74: {  	_ =	shalt  }
0x75: {  	_ =	shalt  }
0x76: {  	_ =	shalt  }
0x77: {  	_ =	shalt  }
0x78: {  	_ =	shalt  }
0x79: {  	_ =	shalt  }
0x7a: {  	_ =	shalt  }
0x7b: {  	_ =	shalt  }
0x7c: {  	_ =	shalt  }
0x7d: {  	_ =	shalt  }
0x7e: {  	_ =	shalt  }
0x7f: {  	_ =	shalt  }
0x80: {  	_ =	shalt  }
0x81: {  	_ =	shalt  }
0x82: {  	_ =	shalt  }
0x83: {  	_ =	shalt  }
0x84: {  	_ =	shalt  }
0x85: {  	_ =	shalt  }
0x86: {  	_ =	shalt  }
0x87: {  	_ =	shalt  }
.Lfunc_end0:
.L_simem_size_0:
called_computation_lowered:
.L_overlay_start_0:
0x88: {  	s2 =	sld [smem:$0x3FD9]  }
0x89: {  	s3 =	sld [smem:$0x3FFE];
	_ =	sdelay $0x1  }
0x8a: {  	s1 =	srdreg.scid  }
0x8b: {  	s0 =	sand.u32 $0x1, s1  }
0x8c: {  	s17 =	sshll.u32 s0, $0xA;
	s2 =	sadd.s32 s3, s2  }
0x8d: {  	s2 =	sadd.s32 s2, s17  }
0x8e: {  	[smem:$0x3FC5] =	sst s2  }
0x8f: {  	_ = 	snop  }
0x90: {  	s2 =	sld [smem:$0x3FC9]  }
0x91: {  	s18 =	sld [smem:$0x3FC8];
	(tm) =	ssettm $0x1  }
0x92: {  	s4 =	sld [smem:$0x3FFB];
	_ =	sdelay $0x3  }
0x93: {  	_ =	strace s4  }
0x94: {  	s4 =	sld [smem:$0x3FFC];
	_ =	sdelay $0x3  }
0x95: {  	_ =	strace s4  }
0x96: {  	s4 =	sld [smem:$0x3FFD];
	_ =	sdelay $0x3  }
0x97: {  	_ =	strace s4  }
0x98: {  	_ =	strace $0x8FFFFFFF  }
0x99: {  	s19 =	sld [smem:$0x3FDB];
	_ =	sdelay $0x1  }
0x9a: {  	s5 =	simm.s32 $_scs_section_size  }
0x9b: {  	s6 =	simm.s32 $_size__tile_overlayer_lowered;
	s7 =	simm.s32 $_tile_overlayer_lowered  }
0x9c: {  	s22 =	simm.s32 $0x1BFF;
	s21 =	sshll.u32 s7, $0x1;
	s4 =	sadd.s32 s5, s19  }
0x9d: {  	s8 =	simm.s32 $0x0;
	s20 =	sshll.u32 s6, $0x1;
	s6 =	sadd.s32 s21, s4  }
0x9e: {  	[timem:s8], [sflag:s22] =	dma.local [hbm:s6], s20  }
0x9f: {  	_ =	swait.ge [sflag:s22], s20  }
0xa0: {  	s5 =	ssub.s32 $0x0, s20;
	[sflag:s22] =	ssyncset.done $0x0  }
0xa1: {  	[sflag:s22] =	ssyncadd.s32 s5;
	_ =	sdelay $0x1  }
0xa2: {  	s23 =	simm.s32 $0x1B8B  }
0xa3: {  	_ =	swait.ge [sflag:s23], $0x1  }
0xa4: {  	[sflag:s23] =	ssyncset.done $0x0  }
0xa5: {  	s25 =	simm.s32 $0x1B8E;
	s24 =	sld [smem:$0x3FFE];
	[sflag:s23] =	ssyncadd.s32 $0xFFFFFFFF  }
0xa6: {  	s26 =	simm.s32 $execute0_lowered;
	[smem:$0x3FD2] =	sst s25  }
0xa7: {  	s6 =	sshll.u32 s26, $0x1;
	_ =	strace $0x80000046;
	[dreg:$0x1] =	wrdreg $0xFFFFFFFF  }
0xa8: {  	s28 =	simm.s32 $_size_execute0_lowered;
	s4 =	sadd.s32 s4, s6;
	[dreg:$0x0] =	wrdreg $0x0  }
0xa9: {  	s6 =	sshll.u32 s28, $0x1;
	[dreg:$0x2] =	wrdreg s4  }
0xaa: {  	[dreg:$0x3] =	wrdreg s6  }
0xab: {  	[dreg:$0x4] =	wrdreg $0xC0  }
0xac: {  	_ =	task [dreg:s8], $0x5FFFF  }
0xad: {  	[dreg:$0x1] =	wrdreg $0xFFFFFFFF  }
0xae: {  	[dreg:$0x0] =	wrdreg $0x60  }
0xaf: {  	[dreg:$0x2] =	wrdreg s2  }
0xb0: {  	[dreg:$0x3] =	wrdreg s18  }
0xb1: {  	[dreg:$0x4] =	wrdreg s24  }
0xb2: {  	[dreg:$0x5] =	wrdreg $0x9  }
0xb3: {  	_ =	task.clear_ibuf [dreg:s8], $0x6FFFF;
	_ =	strace $0x90000046  }
0xb4: {  	s29 =	simm.s32 $0x9;
	_ =	strace $0x80000048  }
0xb5: {  	_ =	swait.ge [sflag:s29], $0x1  }
0xb6: {  	[sflag:s29] =	ssyncadd.s32 $0xFFFFFFFF  }
0xb7: {  	_ =	strace $0x90000048  }
0xb8: {  	_ =	sfence  }
0xb9: {  	s30 =	sld [smem:$0x0];
	_ =	sdelay $0x2  }
0xba: {  	s31 =	sshll.u32 s1, $0xD;
	s1 =	sshrl.u32 s1, $0x2  }
0xbb: {  	s3 =	sand.u32 $0x4000, s31;
	s1 =	sadd.s32 s1, s30  }
0xbc: {  	s0 =	sor.u32 s3, s0;
	s1 =	sshll.u32 s1, $0x11  }
0xbd: {  	s0 =	sor.u32 s1, s0  }
0xbe: {  	s0 =	sadd.s32 $0x8F2B, s0  }
0xbf: {  	[sflag:s0] =	ssyncadd.remote.s32 $0x1  }
0xc0: {  	_ =	sfence.sel $0xFFFF  }
0xc1: {  	[dreg:$0x0] =	wrdreg $0xFFFFFFFF;
	(pc) =	sbr.abs _section_cstart, $3  }
0xc2: {  	[dreg:$0x1] =	wrdreg $0xFFFFFFFF  }
0xc3: {  	_ =	task.clear_ibuf [dreg:s8], $0x2FFFF;
	_ =	strace $0x9FFFFFFF  }
0xc4: {  	(tm) =	ssettm $0x7FFFFFFF  }
0xc5: {  	_ =	shalt  }
tec
execute0_lowered:
.L_overlay_start_1:
0x0: {  	(tag) =	ssettag $0x1  }
0x1: {  	s0 =	rddreg [dreg:$0x0]  }
0x2: {  	s1 =	rddreg [dreg:$0x1]  }
0x3: {  	s3 =	rddreg [dreg:$0x2];
	s2 =	simm.s32 $0x0  }
0x4: {  	[smem:$0x7FF] =	sst s2;
	s7 =	sadd.s32 $0x400, s3  }
0x5: {  	s13 =	sadd.s32 $0x34D4, s3;
	_ =	strace $0x80000047;
	[dreg:$0x4] =	wrdreg s7  }
0x6: {  	s14 =	sadd.s32 $0x65A8, s3;
	[dreg:$0x6] =	wrdreg s13  }
0x7: {  	s15 =	sadd.s32 $0x967C, s3;
	[dreg:$0x7] =	wrdreg s14  }
0x8: {  	s16 =	sadd.s32 $0xC750, s3;
	[dreg:$0x8] =	wrdreg s15  }
0x9: {  	s17 =	sadd.s32 $0xF824, s3;
	[dreg:$0x9] =	wrdreg s16  }
0xa: {  	s4 =	srdreg.scid;
	s18 =	sadd.s32 $0x128F8, s3;
	[dreg:$0xa] =	wrdreg s17  }
0xb: {  	s5 =	stileid.u32;
	s19 =	sadd.s32 $0x159CC, s3;
	[dreg:$0xb] =	wrdreg s18  }
0xc: {  	s30 =	simm.s32 $0x3;
	s20 =	sadd.s32 $0x18AA0, s3;
	[dreg:$0xc] =	wrdreg s19  }
0xd: {  	s31 =	simm.s32 $0x200;
	s21 =	sadd.s32 $0x1BB74, s3;
	[dreg:$0xd] =	wrdreg s20  }
0xe: {  	s29 =	simm.s32 $0x400;
	s22 =	sadd.s32 $0x1EC48, s3;
	[dreg:$0xe] =	wrdreg s21  }
0xf: {  	s28 =	simm.s32 $0x600;
	s23 =	sadd.s32 $0x21D1C, s3;
	[dreg:$0xf] =	wrdreg s22  }
0x10: {  	p0 =	por $0x0, $0x0;
	s24 =	sadd.s32 $0x24DF0, s3;
	[dreg:$0x10] =	wrdreg s23  }
0x11: {  	s4 =	sand.u32 $0x1, s4;
	s25 =	sadd.s32 $0x27EC4, s3;
	[dreg:$0x11] =	wrdreg s24  }
0x12: {  	s5 =	sshll.u32 s5, $0x7;
	s26 =	sadd.s32 $0x2AF98, s3;
	[dreg:$0x12] =	wrdreg s25  }
0x13: {  	s6 =	sshll.u32 s4, $0x6;
	[dreg:$0x13] =	wrdreg s26;
	s14 =	ssub.s32 $0x2, s4  }
0x14: {  	s26 =	simm.s32 $0x800;
	s25 =	simm.s32 $0xA00;
	s24 =	simm.s32 $0xC00  }
0x15: {  	s23 =	simm.s32 $0xE00;
	s22 =	simm.s32 $0x1000;
	s21 =	simm.s32 $0x1200  }
0x16: {  	s20 =	simm.s32 $0x1400;
	s5 =	sor.u32 s6, s5;
	s6 =	sadd.s32 $0x2E06C, s3  }
0x17: {  	s19 =	simm.s32 $0x1600;
	s1 =	sadd.s32 s1, s5;
	[dreg:$0x14] =	wrdreg s6  }
0x18: {  	s3 =	sadd.s32 s5, s3;
	s0 =	sadd.s32 s0, s5;
	[dreg:$0x5] =	wrdreg s1  }
0x19: {  	s18 =	simm.s32 $0x1800;
	[dreg:$0x15] =	wrdreg s0;
	s7 =	sadd.s32 $0x31200, s3  }
0x1a: {  	s4 =	sshrl.u32 s14, $0x1;
	s8 =	sadd.s32 $0x31A00, s3;
	[dreg:$0x16] =	wrdreg s7  }
0x1b: {  	s9 =	sadd.s32 $0x32200, s3;
	s10 =	sadd.s32 $0x32A00, s3;
	[dreg:$0x17] =	wrdreg s8  }
0x1c: {  	s11 =	sadd.s32 $0x33200, s3;
	s12 =	sadd.s32 $0x33A00, s3;
	[dreg:$0x18] =	wrdreg s9  }
0x1d: {  	s13 =	sadd.s32 $0x34200, s3;
	s15 =	sadd.s32 $0x34A00, s3;
	[dreg:$0x19] =	wrdreg s10  }
0x1e: {  	s16 =	sadd.s32 $0x35200, s3;
	s1 =	ssub.s32 s14, s4;
	[dreg:$0x1a] =	wrdreg s11  }
0x1f: {  	s6 =	sadd.s32 $0x38200, s3;
	s5 =	sadd.s32 $0x38A00, s3;
	[dreg:$0x1b] =	wrdreg s12  }
0x20: {  	s4 =	sadd.s32 $0x39200, s3;
	[dreg:$0x1c] =	wrdreg s13;
	s17 =	smax.u32 s1, $0x1  }
0x21: {  	s14 =	simm.s32 $0x2000;
	[dreg:$0x1d] =	wrdreg s15;
	p1 =	sne.s32 s17, $0x1  }
.Ltmp0:
0x22: {  	[dreg:$0x1e] =	wrdreg s16;
	s11 =	sadd.s32 $0x35A00, s3;
	(pc) =	sbr.rel @!p1 .LBB2_3-.Ltmp0, $4  }
0x23: {  	s10 =	sadd.s32 $0x36200, s3;
	s9 =	sadd.s32 $0x36A00, s3;
	s8 =	sadd.s32 $0x37200, s3  }
0x24: {  	s7 =	sadd.s32 $0x37A00, s3;
	s16 =	simm.s32 $0x1A00;
	s15 =	simm.s32 $0x1E00  }
0x25: {  	s12 =	simm.s32 $0x2200;
	s13 =	simm.s32 $0x1;
	s3 =	simm.s32 $0x2  }
0x26: {  	s1 =	rddreg [dreg:$0x5];
	s0 =	sadd.s32 $0xFFFFFFFF, s17;
	s17 =	simm.s32 $0x1C00  }
0x27: {  	[tilespmem:s2], [sflag:$0x3] =	stream.linear.gather [hbm4b:s1+s2], $0x200, $0x38;
	[tilespmem:$0x2400] =	vst v63  }
0x28: {  	_ =	swait.ge [sflag:s30], $0x200  }
0x29: {  	[dreg:$0x1f] =	wrdreg s0;
	[sflag:s30] =	ssyncset.done $0x0  }
0x2a: {  	s1 =	rddreg [dreg:$0x4];
	[sflag:s30] =	ssyncadd.s32 $0xFFFFFE00  }
0x2b: {  	[tilespmem:s29], [sflag:$0x1] =	stream.indirect.gather [hbm4b:s1+s31], $0x1, s2, s31, $0xb8;
	[tilespmem:$0x2400] =	vst v63  }
0x2c: {  	s0 =	rddreg [dreg:$0x6]  }
0x2d: {  	[tilespmem:s28], [sflag:$0x1] =	stream.indirect.gather [hbm4b:s0+s31], $0x1, s2, s31, $0xb8;
	[tilespmem:$0x2400] =	vst v63  }
0x2e: {  	s1 =	rddreg [dreg:$0x7]  }
0x2f: {  	[tilespmem:s26], [sflag:$0x1] =	stream.indirect.gather [hbm4b:s1+s31], $0x1, s2, s31, $0xb8;
	[tilespmem:$0x2400] =	vst v63  }
0x30: {  	s0 =	rddreg [dreg:$0x8]  }
0x31: {  	[tilespmem:s25], [sflag:$0x1] =	stream.indirect.gather [hbm4b:s0+s31], $0x1, s2, s31, $0xb8;
	[tilespmem:$0x2400] =	vst v63  }
0x32: {  	s1 =	rddreg [dreg:$0x9]  }
0x33: {  	[tilespmem:s24], [sflag:$0x1] =	stream.indirect.gather [hbm4b:s1+s31], $0x1, s2, s31, $0xb8;
	[tilespmem:$0x2400] =	vst v63  }
0x34: {  	s0 =	rddreg [dreg:$0xa]  }
0x35: {  	[tilespmem:s23], [sflag:$0x1] =	stream.indirect.gather [hbm4b:s0+s31], $0x1, s2, s31, $0xb8;
	[tilespmem:$0x2400] =	vst v63  }
0x36: {  	s1 =	rddreg [dreg:$0xb]  }
0x37: {  	[tilespmem:s22], [sflag:$0x1] =	stream.indirect.gather [hbm4b:s1+s31], $0x1, s2, s31, $0xb8;
	[tilespmem:$0x2400] =	vst v63  }
0x38: {  	s0 =	rddreg [dreg:$0xc]  }
0x39: {  	[tilespmem:s21], [sflag:$0x1] =	stream.indirect.gather [hbm4b:s0+s31], $0x1, s2, s31, $0xb8;
	[tilespmem:$0x2400] =	vst v63  }
0x3a: {  	s1 =	rddreg [dreg:$0xd]  }
0x3b: {  	[tilespmem:s20], [sflag:$0x1] =	stream.indirect.gather [hbm4b:s1+s31], $0x1, s2, s31, $0xb8;
	[tilespmem:$0x2400] =	vst v63  }
0x3c: {  	s0 =	rddreg [dreg:$0xe]  }
0x3d: {  	[tilespmem:s19], [sflag:$0x1] =	stream.indirect.gather [hbm4b:s0+s31], $0x1, s2, s31, $0xb8;
	[tilespmem:$0x2400] =	vst v63  }
0x3e: {  	s1 =	rddreg [dreg:$0xf]  }
0x3f: {  	[tilespmem:s18], [sflag:$0x1] =	stream.indirect.gather [hbm4b:s1+s31], $0x1, s2, s31, $0xb8;
	[tilespmem:$0x2400] =	vst v63  }
0x40: {  	s0 =	rddreg [dreg:$0x10]  }
0x41: {  	[tilespmem:s16], [sflag:$0x1] =	stream.indirect.gather [hbm4b:s0+s31], $0x1, s2, s31, $0xb8;
	[tilespmem:$0x2400] =	vst v63  }
0x42: {  	s1 =	rddreg [dreg:$0x11]  }
0x43: {  	[tilespmem:s17], [sflag:$0x1] =	stream.indirect.gather [hbm4b:s1+s31], $0x1, s2, s31, $0xb8;
	[tilespmem:$0x2400] =	vst v63  }
0x44: {  	s0 =	rddreg [dreg:$0x12]  }
0x45: {  	[tilespmem:s15], [sflag:$0x1] =	stream.indirect.gather [hbm4b:s0+s31], $0x1, s2, s31, $0xb8;
	[tilespmem:$0x2400] =	vst v63  }
0x46: {  	s1 =	rddreg [dreg:$0x13]  }
0x47: {  	[tilespmem:s14], [sflag:$0x1] =	stream.indirect.gather [hbm4b:s1+s31], $0x1, s2, s31, $0xb8;
	[tilespmem:$0x2400] =	vst v63  }
0x48: {  	s0 =	rddreg [dreg:$0x14]  }
0x49: {  	[tilespmem:s12], [sflag:$0x1] =	stream.indirect.gather [hbm4b:s0+s31], $0x1, s2, s31, $0xb8;
	[tilespmem:$0x2400] =	vst v63  }
0x4a: {  	s1 =	rddreg [dreg:$0x15]  }
0x4b: {  	[tilespmem:s31], [sflag:$0x3] =	stream.linear.gather [hbm4b:s1+s2], $0x200, $0x38;
	[tilespmem:$0x2400] =	vst v63  }
0x4c: {  	_ =	swait.ge [sflag:s30], $0x200  }
0x4d: {  	[sflag:s30] =	ssyncset.done $0x0  }
0x4e: {  	s1 =	rddreg [dreg:$0x16];
	[sflag:s30] =	ssyncadd.s32 $0xFFFFFE00  }
0x4f: {  	[hbm4b:s1+s2] =	stream.linear.scatter [tilespmem:s31], [sflag:$0x2], $0x200, $0x38;
	[tilespmem:$0x2400] =	vst v63  }
0x50: {  	_ =	swait.ge [sflag:s13], $0x200  }
0x51: {  	[sflag:s13] =	ssyncset.done $0x0  }
0x52: {  	s1 =	rddreg [dreg:$0x17];
	[sflag:s13] =	ssyncadd.s32 $0xFFFFFE00  }
0x53: {  	[hbm4b:s1+s2] =	stream.linear.scatter [tilespmem:s29], [sflag:$0x2], $0x200, $0x38;
	[tilespmem:$0x2400] =	vst v63  }
0x54: {  	_ =	swait.ge [sflag:s13], $0x200  }
0x55: {  	[sflag:s13] =	ssyncset.done $0x0  }
0x56: {  	s1 =	rddreg [dreg:$0x18];
	[sflag:s13] =	ssyncadd.s32 $0xFFFFFE00  }
0x57: {  	[hbm4b:s1+s2] =	stream.linear.scatter [tilespmem:s28], [sflag:$0x2], $0x200, $0x38;
	[tilespmem:$0x2400] =	vst v63  }
0x58: {  	_ =	swait.ge [sflag:s13], $0x200  }
0x59: {  	[sflag:s13] =	ssyncset.done $0x0  }
0x5a: {  	s1 =	rddreg [dreg:$0x19];
	[sflag:s13] =	ssyncadd.s32 $0xFFFFFE00  }
0x5b: {  	[hbm4b:s1+s2] =	stream.linear.scatter [tilespmem:s26], [sflag:$0x2], $0x200, $0x38;
	[tilespmem:$0x2400] =	vst v63  }
0x5c: {  	_ =	swait.ge [sflag:s13], $0x200  }
0x5d: {  	[sflag:s13] =	ssyncset.done $0x0  }
0x5e: {  	s1 =	rddreg [dreg:$0x1a];
	[sflag:s13] =	ssyncadd.s32 $0xFFFFFE00  }
0x5f: {  	[hbm4b:s1+s2] =	stream.linear.scatter [tilespmem:s25], [sflag:$0x2], $0x200, $0x38;
	[tilespmem:$0x2400] =	vst v63  }
0x60: {  	_ =	swait.ge [sflag:s13], $0x200  }
0x61: {  	[sflag:s13] =	ssyncset.done $0x0  }
0x62: {  	s1 =	rddreg [dreg:$0x1b];
	[sflag:s13] =	ssyncadd.s32 $0xFFFFFE00  }
0x63: {  	[hbm4b:s1+s2] =	stream.linear.scatter [tilespmem:s24], [sflag:$0x2], $0x200, $0x38;
	[tilespmem:$0x2400] =	vst v63  }
0x64: {  	_ =	swait.ge [sflag:s13], $0x200  }
0x65: {  	[sflag:s13] =	ssyncset.done $0x0  }
0x66: {  	s1 =	rddreg [dreg:$0x1c];
	[sflag:s13] =	ssyncadd.s32 $0xFFFFFE00  }
0x67: {  	[hbm4b:s1+s2] =	stream.linear.scatter [tilespmem:s23], [sflag:$0x2], $0x200, $0x38;
	[tilespmem:$0x2400] =	vst v63  }
0x68: {  	_ =	swait.ge [sflag:s13], $0x200  }
0x69: {  	[sflag:s13] =	ssyncset.done $0x0  }
0x6a: {  	s1 =	rddreg [dreg:$0x1d];
	[sflag:s13] =	ssyncadd.s32 $0xFFFFFE00  }
0x6b: {  	[hbm4b:s1+s2] =	stream.linear.scatter [tilespmem:s22], [sflag:$0x2], $0x200, $0x38;
	[tilespmem:$0x2400] =	vst v63  }
0x6c: {  	_ =	swait.ge [sflag:s13], $0x200  }
0x6d: {  	[sflag:s13] =	ssyncset.done $0x0  }
0x6e: {  	s1 =	rddreg [dreg:$0x1e];
	[sflag:s13] =	ssyncadd.s32 $0xFFFFFE00  }
0x6f: {  	[hbm4b:s1+s2] =	stream.linear.scatter [tilespmem:s21], [sflag:$0x2], $0x200, $0x38;
	[tilespmem:$0x2400] =	vst v63  }
0x70: {  	_ =	swait.ge [sflag:s13], $0x200  }
0x71: {  	[sflag:s13] =	ssyncset.done $0x0  }
0x72: {  	[sflag:s13] =	ssyncadd.s32 $0xFFFFFE00  }
0x73: {  	[hbm4b:s11+s2] =	stream.linear.scatter [tilespmem:s20], [sflag:$0x2], $0x200, $0x38;
	[tilespmem:$0x2400] =	vst v63  }
0x74: {  	_ =	swait.ge [sflag:s13], $0x200  }
0x75: {  	[sflag:s13] =	ssyncset.done $0x0  }
0x76: {  	[sflag:s13] =	ssyncadd.s32 $0xFFFFFE00  }
0x77: {  	[hbm4b:s10+s2] =	stream.linear.scatter [tilespmem:s19], [sflag:$0x2], $0x200, $0x38;
	[tilespmem:$0x2400] =	vst v63  }
0x78: {  	_ =	swait.ge [sflag:s13], $0x200  }
0x79: {  	[sflag:s13] =	ssyncset.done $0x0  }
0x7a: {  	[sflag:s13] =	ssyncadd.s32 $0xFFFFFE00  }
0x7b: {  	[hbm4b:s9+s2] =	stream.linear.scatter [tilespmem:s18], [sflag:$0x2], $0x200, $0x38;
	[tilespmem:$0x2400] =	vst v63  }
0x7c: {  	_ =	swait.ge [sflag:s13], $0x200  }
0x7d: {  	[sflag:s13] =	ssyncset.done $0x0  }
0x7e: {  	[sflag:s13] =	ssyncadd.s32 $0xFFFFFE00  }
0x7f: {  	[hbm4b:s8+s2] =	stream.linear.scatter [tilespmem:s16], [sflag:$0x2], $0x200, $0x38;
	[tilespmem:$0x2400] =	vst v63  }
0x80: {  	_ =	swait.ge [sflag:s13], $0x200  }
0x81: {  	[sflag:s13] =	ssyncset.done $0x0  }
0x82: {  	[sflag:s13] =	ssyncadd.s32 $0xFFFFFE00  }
0x83: {  	[hbm4b:s7+s2] =	stream.linear.scatter [tilespmem:s17], [sflag:$0x2], $0x200, $0x38;
	[tilespmem:$0x2400] =	vst v63  }
0x84: {  	_ =	swait.ge [sflag:s13], $0x200  }
0x85: {  	[sflag:s13] =	ssyncset.done $0x0  }
0x86: {  	[sflag:s13] =	ssyncadd.s32 $0xFFFFFE00  }
0x87: {  	[hbm4b:s6+s2] =	stream.linear.scatter [tilespmem:s15], [sflag:$0x2], $0x200, $0x38;
	[tilespmem:$0x2400] =	vst v63  }
0x88: {  	_ =	swait.ge [sflag:s13], $0x200  }
0x89: {  	[sflag:s13] =	ssyncset.done $0x0  }
0x8a: {  	[sflag:s13] =	ssyncadd.s32 $0xFFFFFE00  }
0x8b: {  	[hbm4b:s5+s2] =	stream.linear.scatter [tilespmem:s14], [sflag:$0x2], $0x200, $0x38;
	[tilespmem:$0x2400] =	vst v63  }
0x8c: {  	_ =	swait.ge [sflag:s13], $0x200  }
0x8d: {  	[sflag:s13] =	ssyncset.done $0x0  }
0x8e: {  	[sflag:s13] =	ssyncadd.s32 $0xFFFFFE00  }
0x8f: {  	[hbm4b:s4+s2] =	stream.linear.scatter [tilespmem:s12], [sflag:$0x2], $0x200, $0x38;
	[tilespmem:$0x2400] =	vst v63  }
0x90: {  	_ =	swait.ge [sflag:s3], $0x200  }
0x91: {  	[sflag:s3] =	ssyncset.done $0x0  }
0x92: {  	[sflag:s3] =	ssyncadd.s32 $0xFFFFFE00  }
0x93: {  	_ =	swait.ge [sflag:s3], $0x200  }
0x94: {  	[sflag:s3] =	ssyncset.done $0x0  }
0x95: {  	[sflag:s3] =	ssyncadd.s32 $0xFFFFFE00  }
0x96: {  	_ =	swait.ge [sflag:s3], $0x200  }
0x97: {  	[sflag:s3] =	ssyncset.done $0x0  }
0x98: {  	[sflag:s3] =	ssyncadd.s32 $0xFFFFFE00  }
0x99: {  	_ =	swait.ge [sflag:s3], $0x200  }
0x9a: {  	[sflag:s3] =	ssyncset.done $0x0  }
0x9b: {  	[sflag:s3] =	ssyncadd.s32 $0xFFFFFE00  }
0x9c: {  	_ =	swait.ge [sflag:s3], $0x200  }
0x9d: {  	[sflag:s3] =	ssyncset.done $0x0  }
0x9e: {  	[sflag:s3] =	ssyncadd.s32 $0xFFFFFE00  }
0x9f: {  	_ =	swait.ge [sflag:s3], $0x200  }
0xa0: {  	[sflag:s3] =	ssyncset.done $0x0  }
0xa1: {  	[sflag:s3] =	ssyncadd.s32 $0xFFFFFE00  }
0xa2: {  	_ =	swait.ge [sflag:s3], $0x200  }
0xa3: {  	[sflag:s3] =	ssyncset.done $0x0  }
0xa4: {  	[sflag:s3] =	ssyncadd.s32 $0xFFFFFE00  }
0xa5: {  	_ =	swait.ge [sflag:s3], $0x200  }
0xa6: {  	[sflag:s3] =	ssyncset.done $0x0  }
0xa7: {  	[sflag:s3] =	ssyncadd.s32 $0xFFFFFE00  }
0xa8: {  	_ =	swait.ge [sflag:s3], $0x200  }
0xa9: {  	[sflag:s3] =	ssyncset.done $0x0  }
0xaa: {  	[sflag:s3] =	ssyncadd.s32 $0xFFFFFE00  }
0xab: {  	_ =	swait.ge [sflag:s3], $0x200  }
0xac: {  	[sflag:s3] =	ssyncset.done $0x0  }
0xad: {  	[sflag:s3] =	ssyncadd.s32 $0xFFFFFE00  }
0xae: {  	_ =	swait.ge [sflag:s3], $0x200  }
0xaf: {  	[sflag:s3] =	ssyncset.done $0x0  }
0xb0: {  	[sflag:s3] =	ssyncadd.s32 $0xFFFFFE00  }
0xb1: {  	_ =	swait.ge [sflag:s3], $0x200  }
0xb2: {  	[sflag:s3] =	ssyncset.done $0x0  }
0xb3: {  	[sflag:s3] =	ssyncadd.s32 $0xFFFFFE00  }
0xb4: {  	_ =	swait.ge [sflag:s3], $0x200  }
0xb5: {  	[sflag:s3] =	ssyncset.done $0x0  }
0xb6: {  	[sflag:s3] =	ssyncadd.s32 $0xFFFFFE00  }
0xb7: {  	_ =	swait.ge [sflag:s3], $0x200  }
0xb8: {  	[sflag:s3] =	ssyncset.done $0x0  }
0xb9: {  	[sflag:s3] =	ssyncadd.s32 $0xFFFFFE00  }
0xba: {  	_ =	swait.ge [sflag:s3], $0x200  }
0xbb: {  	[sflag:s3] =	ssyncset.done $0x0  }
0xbc: {  	[sflag:s3] =	ssyncadd.s32 $0xFFFFFE00  }
0xbd: {  	_ =	swait.ge [sflag:s3], $0x200  }
0xbe: {  	s1 =	rddreg [dreg:$0x1f]  }
0xbf: {  	p1 =	sne.s32 s1, $0x1  }
.Ltmp1:
0xc0: {  	_ = 	snop;
	(pc) =	sbr.rel @!p1 .LBB2_3-.Ltmp1, $4  }
0xc1: {  	[sflag:s3] =	ssyncset.done $0x0  }
0xc2: {  	[sflag:s3] =	ssyncadd.s32 $0xFFFFFE00  }
0xc3: {  	p0 =	por $0x1, $0x1;
	_ =	swait.ge [sflag:s3], $0x200  }
0xc4: {  	s0 =	sadd.s32 $0xFFFFFFFF, s1;
	s1 =	rddreg [dreg:$0x5];
	[sflag:s3] =	ssyncset.done $0x0  }
.LBB2_2:
0xc5: {  	[sflag:s3] =	ssyncadd.s32 $0xFFFFFE00;
	s12 =	smov.u32 s11  }
0xc6: {  	[tilespmem:s2], [sflag:$0x3] =	stream.linear.gather [hbm4b:s1+s2], $0x200, $0x38;
	[tilespmem:$0x2400] =	vst v63  }
0xc7: {  	s11 =	smov.u32 s10;
	s10 =	smov.u32 s9;
	_ =	swait.ge [sflag:s30], $0x200  }
0xc8: {  	s9 =	smov.u32 s8;
	s8 =	smov.u32 s7;
	[sflag:s30] =	ssyncset.done $0x0  }
0xc9: {  	s7 =	smov.u32 s6;
	s1 =	rddreg [dreg:$0x4];
	[sflag:s30] =	ssyncadd.s32 $0xFFFFFE00  }
0xca: {  	[tilespmem:s29], [sflag:$0x1] =	stream.indirect.gather [hbm4b:s1+s31], $0x1, s2, s31, $0xb8;
	[tilespmem:$0x2400] =	vst v63  }
0xcb: {  	s6 =	smov.u32 s5;
	s5 =	smov.u32 s4;
	s4 =	rddreg [dreg:$0x6]  }
0xcc: {  	[tilespmem:s28], [sflag:$0x1] =	stream.indirect.gather [hbm4b:s4+s31], $0x1, s2, s31, $0xb8;
	[tilespmem:$0x2400] =	vst v63  }
0xcd: {  	s1 =	rddreg [dreg:$0x7]  }
0xce: {  	[tilespmem:s26], [sflag:$0x1] =	stream.indirect.gather [hbm4b:s1+s31], $0x1, s2, s31, $0xb8;
	[tilespmem:$0x2400] =	vst v63  }
0xcf: {  	s4 =	rddreg [dreg:$0x8]  }
0xd0: {  	[tilespmem:s25], [sflag:$0x1] =	stream.indirect.gather [hbm4b:s4+s31], $0x1, s2, s31, $0xb8;
	[tilespmem:$0x2400] =	vst v63  }
0xd1: {  	s1 =	rddreg [dreg:$0x9]  }
0xd2: {  	[tilespmem:s24], [sflag:$0x1] =	stream.indirect.gather [hbm4b:s1+s31], $0x1, s2, s31, $0xb8;
	[tilespmem:$0x2400] =	vst v63  }
0xd3: {  	s4 =	rddreg [dreg:$0xa]  }
0xd4: {  	[tilespmem:s23], [sflag:$0x1] =	stream.indirect.gather [hbm4b:s4+s31], $0x1, s2, s31, $0xb8;
	[tilespmem:$0x2400] =	vst v63  }
0xd5: {  	s1 =	rddreg [dreg:$0xb]  }
0xd6: {  	[tilespmem:s22], [sflag:$0x1] =	stream.indirect.gather [hbm4b:s1+s31], $0x1, s2, s31, $0xb8;
	[tilespmem:$0x2400] =	vst v63  }
0xd7: {  	s4 =	rddreg [dreg:$0xc]  }
0xd8: {  	[tilespmem:s21], [sflag:$0x1] =	stream.indirect.gather [hbm4b:s4+s31], $0x1, s2, s31, $0xb8;
	[tilespmem:$0x2400] =	vst v63  }
0xd9: {  	s1 =	rddreg [dreg:$0xd]  }
0xda: {  	[tilespmem:s20], [sflag:$0x1] =	stream.indirect.gather [hbm4b:s1+s31], $0x1, s2, s31, $0xb8;
	[tilespmem:$0x2400] =	vst v63  }
0xdb: {  	s4 =	rddreg [dreg:$0xe]  }
0xdc: {  	[tilespmem:s19], [sflag:$0x1] =	stream.indirect.gather [hbm4b:s4+s31], $0x1, s2, s31, $0xb8;
	[tilespmem:$0x2400] =	vst v63  }
0xdd: {  	s1 =	rddreg [dreg:$0xf]  }
0xde: {  	[tilespmem:s18], [sflag:$0x1] =	stream.indirect.gather [hbm4b:s1+s31], $0x1, s2, s31, $0xb8;
	[tilespmem:$0x2400] =	vst v63  }
0xdf: {  	s17 =	simm.s32 $0x1A00;
	s4 =	rddreg [dreg:$0x10]  }
0xe0: {  	[tilespmem:s17], [sflag:$0x1] =	stream.indirect.gather [hbm4b:s4+s31], $0x1, s2, s31, $0xb8;
	[tilespmem:$0x2400] =	vst v63  }
0xe1: {  	s1 =	rddreg [dreg:$0x11];
	s17 =	simm.s32 $0x1C00  }
0xe2: {  	[tilespmem:s17], [sflag:$0x1] =	stream.indirect.gather [hbm4b:s1+s31], $0x1, s2, s31, $0xb8;
	[tilespmem:$0x2400] =	vst v63  }
0xe3: {  	s16 =	simm.s32 $0x1E00;
	s4 =	rddreg [dreg:$0x12]  }
0xe4: {  	[tilespmem:s16], [sflag:$0x1] =	stream.indirect.gather [hbm4b:s4+s31], $0x1, s2, s31, $0xb8;
	[tilespmem:$0x2400] =	vst v63  }
0xe5: {  	s15 =	simm.s32 $0x2000;
	s1 =	rddreg [dreg:$0x13]  }
0xe6: {  	[tilespmem:s15], [sflag:$0x1] =	stream.indirect.gather [hbm4b:s1+s31], $0x1, s2, s31, $0xb8;
	[tilespmem:$0x2400] =	vst v63  }
0xe7: {  	s14 =	simm.s32 $0x2200;
	s4 =	rddreg [dreg:$0x14]  }
0xe8: {  	[tilespmem:s14], [sflag:$0x1] =	stream.indirect.gather [hbm4b:s4+s31], $0x1, s2, s31, $0xb8;
	[tilespmem:$0x2400] =	vst v63  }
0xe9: {  	s1 =	rddreg [dreg:$0x15]  }
0xea: {  	[tilespmem:s31], [sflag:$0x3] =	stream.linear.gather [hbm4b:s1+s2], $0x200, $0x38;
	[tilespmem:$0x2400] =	vst v63  }
0xeb: {  	_ =	swait.ge [sflag:s30], $0x200  }
0xec: {  	[sflag:s30] =	ssyncset.done $0x0  }
0xed: {  	s1 =	rddreg [dreg:$0x16];
	[sflag:s30] =	ssyncadd.s32 $0xFFFFFE00  }
0xee: {  	[hbm4b:s1+s2] =	stream.linear.scatter [tilespmem:s31], [sflag:$0x2], $0x200, $0x38;
	[tilespmem:$0x2400] =	vst v63  }
0xef: {  	_ =	swait.ge [sflag:s13], $0x200  }
0xf0: {  	[sflag:s13] =	ssyncset.done $0x0  }
0xf1: {  	s1 =	rddreg [dreg:$0x17];
	[sflag:s13] =	ssyncadd.s32 $0xFFFFFE00  }
0xf2: {  	[hbm4b:s1+s2] =	stream.linear.scatter [tilespmem:s29], [sflag:$0x2], $0x200, $0x38;
	[tilespmem:$0x2400] =	vst v63  }
0xf3: {  	_ =	swait.ge [sflag:s13], $0x200  }
0xf4: {  	[sflag:s13] =	ssyncset.done $0x0  }
0xf5: {  	s1 =	rddreg [dreg:$0x18];
	[sflag:s13] =	ssyncadd.s32 $0xFFFFFE00  }
0xf6: {  	[hbm4b:s1+s2] =	stream.linear.scatter [tilespmem:s28], [sflag:$0x2], $0x200, $0x38;
	[tilespmem:$0x2400] =	vst v63  }
0xf7: {  	_ =	swait.ge [sflag:s13], $0x200  }
0xf8: {  	[sflag:s13] =	ssyncset.done $0x0  }
0xf9: {  	s1 =	rddreg [dreg:$0x19];
	[sflag:s13] =	ssyncadd.s32 $0xFFFFFE00  }
0xfa: {  	[hbm4b:s1+s2] =	stream.linear.scatter [tilespmem:s26], [sflag:$0x2], $0x200, $0x38;
	[tilespmem:$0x2400] =	vst v63  }
0xfb: {  	_ =	swait.ge [sflag:s13], $0x200  }
0xfc: {  	[sflag:s13] =	ssyncset.done $0x0  }
0xfd: {  	s1 =	rddreg [dreg:$0x1a];
	[sflag:s13] =	ssyncadd.s32 $0xFFFFFE00  }
0xfe: {  	[hbm4b:s1+s2] =	stream.linear.scatter [tilespmem:s25], [sflag:$0x2], $0x200, $0x38;
	[tilespmem:$0x2400] =	vst v63  }
0xff: {  	_ =	swait.ge [sflag:s13], $0x200  }
0x100: {  	[sflag:s13] =	ssyncset.done $0x0  }
0x101: {  	s1 =	rddreg [dreg:$0x1b];
	[sflag:s13] =	ssyncadd.s32 $0xFFFFFE00  }
0x102: {  	[hbm4b:s1+s2] =	stream.linear.scatter [tilespmem:s24], [sflag:$0x2], $0x200, $0x38;
	[tilespmem:$0x2400] =	vst v63  }
0x103: {  	_ =	swait.ge [sflag:s13], $0x200  }
0x104: {  	[sflag:s13] =	ssyncset.done $0x0  }
0x105: {  	s1 =	rddreg [dreg:$0x1c];
	[sflag:s13] =	ssyncadd.s32 $0xFFFFFE00  }
0x106: {  	[hbm4b:s1+s2] =	stream.linear.scatter [tilespmem:s23], [sflag:$0x2], $0x200, $0x38;
	[tilespmem:$0x2400] =	vst v63  }
0x107: {  	_ =	swait.ge [sflag:s13], $0x200  }
0x108: {  	[sflag:s13] =	ssyncset.done $0x0  }
0x109: {  	s1 =	rddreg [dreg:$0x1d];
	[sflag:s13] =	ssyncadd.s32 $0xFFFFFE00  }
0x10a: {  	[hbm4b:s1+s2] =	stream.linear.scatter [tilespmem:s22], [sflag:$0x2], $0x200, $0x38;
	[tilespmem:$0x2400] =	vst v63  }
0x10b: {  	_ =	swait.ge [sflag:s13], $0x200  }
0x10c: {  	s4 =	smov.u32 s5;
	[sflag:s13] =	ssyncset.done $0x0  }
0x10d: {  	s5 =	smov.u32 s6;
	s1 =	rddreg [dreg:$0x1e];
	[sflag:s13] =	ssyncadd.s32 $0xFFFFFE00  }
0x10e: {  	[hbm4b:s1+s2] =	stream.linear.scatter [tilespmem:s21], [sflag:$0x2], $0x200, $0x38;
	[tilespmem:$0x2400] =	vst v63  }
0x10f: {  	s6 =	smov.u32 s7;
	s7 =	smov.u32 s8;
	_ =	swait.ge [sflag:s13], $0x200  }
0x110: {  	s8 =	smov.u32 s9;
	s9 =	smov.u32 s10;
	[sflag:s13] =	ssyncset.done $0x0  }
0x111: {  	s10 =	smov.u32 s11;
	s11 =	smov.u32 s12;
	[sflag:s13] =	ssyncadd.s32 $0xFFFFFE00  }
0x112: {  	[hbm4b:s11+s2] =	stream.linear.scatter [tilespmem:s20], [sflag:$0x2], $0x200, $0x38;
	[tilespmem:$0x2400] =	vst v63  }
0x113: {  	_ =	swait.ge [sflag:s13], $0x200  }
0x114: {  	[sflag:s13] =	ssyncset.done $0x0  }
0x115: {  	[sflag:s13] =	ssyncadd.s32 $0xFFFFFE00  }
0x116: {  	[hbm4b:s10+s2] =	stream.linear.scatter [tilespmem:s19], [sflag:$0x2], $0x200, $0x38;
	[tilespmem:$0x2400] =	vst v63  }
0x117: {  	_ =	swait.ge [sflag:s13], $0x200  }
0x118: {  	[sflag:s13] =	ssyncset.done $0x0  }
0x119: {  	[sflag:s13] =	ssyncadd.s32 $0xFFFFFE00  }
0x11a: {  	[hbm4b:s9+s2] =	stream.linear.scatter [tilespmem:s18], [sflag:$0x2], $0x200, $0x38;
	[tilespmem:$0x2400] =	vst v63  }
0x11b: {  	_ =	swait.ge [sflag:s13], $0x200  }
0x11c: {  	[sflag:s13] =	ssyncset.done $0x0  }
0x11d: {  	s16 =	simm.s32 $0x1A00;
	[sflag:s13] =	ssyncadd.s32 $0xFFFFFE00  }
0x11e: {  	[hbm4b:s8+s2] =	stream.linear.scatter [tilespmem:s16], [sflag:$0x2], $0x200, $0x38;
	[tilespmem:$0x2400] =	vst v63  }
0x11f: {  	_ =	swait.ge [sflag:s13], $0x200  }
0x120: {  	[sflag:s13] =	ssyncset.done $0x0  }
0x121: {  	[sflag:s13] =	ssyncadd.s32 $0xFFFFFE00  }
0x122: {  	[hbm4b:s7+s2] =	stream.linear.scatter [tilespmem:s17], [sflag:$0x2], $0x200, $0x38;
	[tilespmem:$0x2400] =	vst v63  }
0x123: {  	_ =	swait.ge [sflag:s13], $0x200  }
0x124: {  	[sflag:s13] =	ssyncset.done $0x0  }
0x125: {  	s15 =	simm.s32 $0x1E00;
	[sflag:s13] =	ssyncadd.s32 $0xFFFFFE00  }
0x126: {  	[hbm4b:s6+s2] =	stream.linear.scatter [tilespmem:s15], [sflag:$0x2], $0x200, $0x38;
	[tilespmem:$0x2400] =	vst v63  }
0x127: {  	_ =	swait.ge [sflag:s13], $0x200  }
0x128: {  	[sflag:s13] =	ssyncset.done $0x0  }
0x129: {  	s14 =	simm.s32 $0x2000;
	[sflag:s13] =	ssyncadd.s32 $0xFFFFFE00  }
0x12a: {  	[hbm4b:s5+s2] =	stream.linear.scatter [tilespmem:s14], [sflag:$0x2], $0x200, $0x38;
	[tilespmem:$0x2400] =	vst v63  }
0x12b: {  	_ =	swait.ge [sflag:s13], $0x200  }
0x12c: {  	[sflag:s13] =	ssyncset.done $0x0  }
0x12d: {  	s12 =	simm.s32 $0x2200;
	[sflag:s13] =	ssyncadd.s32 $0xFFFFFE00  }
0x12e: {  	[hbm4b:s4+s2] =	stream.linear.scatter [tilespmem:s12], [sflag:$0x2], $0x200, $0x38;
	[tilespmem:$0x2400] =	vst v63  }
0x12f: {  	_ =	swait.ge [sflag:s3], $0x200  }
0x130: {  	[sflag:s3] =	ssyncset.done $0x0  }
0x131: {  	[sflag:s3] =	ssyncadd.s32 $0xFFFFFE00  }
0x132: {  	_ =	swait.ge [sflag:s3], $0x200  }
0x133: {  	[sflag:s3] =	ssyncset.done $0x0  }
0x134: {  	[sflag:s3] =	ssyncadd.s32 $0xFFFFFE00  }
0x135: {  	_ =	swait.ge [sflag:s3], $0x200  }
0x136: {  	[sflag:s3] =	ssyncset.done $0x0  }
0x137: {  	[sflag:s3] =	ssyncadd.s32 $0xFFFFFE00  }
0x138: {  	_ =	swait.ge [sflag:s3], $0x200  }
0x139: {  	[sflag:s3] =	ssyncset.done $0x0  }
0x13a: {  	[sflag:s3] =	ssyncadd.s32 $0xFFFFFE00  }
0x13b: {  	_ =	swait.ge [sflag:s3], $0x200  }
0x13c: {  	[sflag:s3] =	ssyncset.done $0x0  }
0x13d: {  	[sflag:s3] =	ssyncadd.s32 $0xFFFFFE00  }
0x13e: {  	_ =	swait.ge [sflag:s3], $0x200  }
0x13f: {  	[sflag:s3] =	ssyncset.done $0x0  }
0x140: {  	[sflag:s3] =	ssyncadd.s32 $0xFFFFFE00  }
0x141: {  	_ =	swait.ge [sflag:s3], $0x200  }
0x142: {  	[sflag:s3] =	ssyncset.done $0x0  }
0x143: {  	[sflag:s3] =	ssyncadd.s32 $0xFFFFFE00  }
0x144: {  	_ =	swait.ge [sflag:s3], $0x200  }
0x145: {  	[sflag:s3] =	ssyncset.done $0x0  }
0x146: {  	[sflag:s3] =	ssyncadd.s32 $0xFFFFFE00  }
0x147: {  	_ =	swait.ge [sflag:s3], $0x200  }
0x148: {  	[sflag:s3] =	ssyncset.done $0x0  }
0x149: {  	[sflag:s3] =	ssyncadd.s32 $0xFFFFFE00  }
0x14a: {  	_ =	swait.ge [sflag:s3], $0x200  }
0x14b: {  	[sflag:s3] =	ssyncset.done $0x0  }
0x14c: {  	[sflag:s3] =	ssyncadd.s32 $0xFFFFFE00  }
0x14d: {  	_ =	swait.ge [sflag:s3], $0x200  }
0x14e: {  	[sflag:s3] =	ssyncset.done $0x0  }
0x14f: {  	[sflag:s3] =	ssyncadd.s32 $0xFFFFFE00  }
0x150: {  	_ =	swait.ge [sflag:s3], $0x200  }
0x151: {  	[sflag:s3] =	ssyncset.done $0x0  }
0x152: {  	[sflag:s3] =	ssyncadd.s32 $0xFFFFFE00  }
0x153: {  	_ =	swait.ge [sflag:s3], $0x200  }
0x154: {  	[sflag:s3] =	ssyncset.done $0x0  }
0x155: {  	[sflag:s3] =	ssyncadd.s32 $0xFFFFFE00  }
0x156: {  	_ =	swait.ge [sflag:s3], $0x200  }
0x157: {  	[sflag:s3] =	ssyncset.done $0x0  }
0x158: {  	[sflag:s3] =	ssyncadd.s32 $0xFFFFFE00  }
0x159: {  	_ =	swait.ge [sflag:s3], $0x200  }
0x15a: {  	[sflag:s3] =	ssyncset.done $0x0  }
0x15b: {  	p1 =	sne.s32 s0, $0x1;
	[sflag:s3] =	ssyncadd.s32 $0xFFFFFE00  }
.Ltmp2:
0x15c: {  	_ =	swait.ge [sflag:s3], $0x200;
	(pc) =	sbr.rel @p1 .LBB2_2-.Ltmp2, $4  }
0x15d: {  	[sflag:s3] =	ssyncset.done $0x0  }
0x15e: {  	[sflag:s3] =	ssyncadd.s32 $0xFFFFFE00  }
0x15f: {  	_ =	swait.ge [sflag:s3], $0x200  }
0x160: {  	s0 =	sadd.s32 $0xFFFFFFFF, s0;
	s1 =	rddreg [dreg:$0x5];
	[sflag:s3] =	ssyncset.done $0x0  }
.LBB2_3:
0x161: {  	[sflag:s3] =	ssyncadd.s32 @p0 $0xFFFFFE00  }
0x162: {  	[tilespmem:s2], [sflag:$0x3] =	stream.linear.gather [hbm4b:s1+s2], $0x200, $0x38;
	[tilespmem:$0x2400] =	vst v63  }
0x163: {  	_ =	swait.ge [sflag:s30], $0x200  }
0x164: {  	[sflag:s30] =	ssyncset.done $0x0  }
0x165: {  	s0 =	rddreg [dreg:$0x4];
	[sflag:s30] =	ssyncadd.s32 $0xFFFFFE00  }
0x166: {  	[tilespmem:s29], [sflag:$0x1] =	stream.indirect.gather [hbm4b:s0+s31], $0x1, s2, s31, $0xb8;
	[tilespmem:$0x2400] =	vst v63  }
0x167: {  	s1 =	rddreg [dreg:$0x6]  }
0x168: {  	[tilespmem:s28], [sflag:$0x1] =	stream.indirect.gather [hbm4b:s1+s31], $0x1, s2, s31, $0xb8;
	[tilespmem:$0x2400] =	vst v63  }
0x169: {  	s0 =	rddreg [dreg:$0x7]  }
0x16a: {  	[tilespmem:s26], [sflag:$0x1] =	stream.indirect.gather [hbm4b:s0+s31], $0x1, s2, s31, $0xb8;
	[tilespmem:$0x2400] =	vst v63  }
0x16b: {  	s1 =	rddreg [dreg:$0x8]  }
0x16c: {  	[tilespmem:s25], [sflag:$0x1] =	stream.indirect.gather [hbm4b:s1+s31], $0x1, s2, s31, $0xb8;
	[tilespmem:$0x2400] =	vst v63  }
0x16d: {  	s0 =	rddreg [dreg:$0x9]  }
0x16e: {  	[tilespmem:s24], [sflag:$0x1] =	stream.indirect.gather [hbm4b:s0+s31], $0x1, s2, s31, $0xb8;
	[tilespmem:$0x2400] =	vst v63  }
0x16f: {  	s1 =	rddreg [dreg:$0xa]  }
0x170: {  	[tilespmem:s23], [sflag:$0x1] =	stream.indirect.gather [hbm4b:s1+s31], $0x1, s2, s31, $0xb8;
	[tilespmem:$0x2400] =	vst v63  }
0x171: {  	s0 =	rddreg [dreg:$0xb]  }
0x172: {  	[tilespmem:s22], [sflag:$0x1] =	stream.indirect.gather [hbm4b:s0+s31], $0x1, s2, s31, $0xb8;
	[tilespmem:$0x2400] =	vst v63  }
0x173: {  	s1 =	rddreg [dreg:$0xc]  }
0x174: {  	[tilespmem:s21], [sflag:$0x1] =	stream.indirect.gather [hbm4b:s1+s31], $0x1, s2, s31, $0xb8;
	[tilespmem:$0x2400] =	vst v63  }
0x175: {  	s0 =	rddreg [dreg:$0xd]  }
0x176: {  	[tilespmem:s20], [sflag:$0x1] =	stream.indirect.gather [hbm4b:s0+s31], $0x1, s2, s31, $0xb8;
	[tilespmem:$0x2400] =	vst v63  }
0x177: {  	s1 =	rddreg [dreg:$0xe]  }
0x178: {  	[tilespmem:s19], [sflag:$0x1] =	stream.indirect.gather [hbm4b:s1+s31], $0x1, s2, s31, $0xb8;
	[tilespmem:$0x2400] =	vst v63  }
0x179: {  	s0 =	rddreg [dreg:$0xf]  }
0x17a: {  	[tilespmem:s18], [sflag:$0x1] =	stream.indirect.gather [hbm4b:s0+s31], $0x1, s2, s31, $0xb8;
	[tilespmem:$0x2400] =	vst v63  }
0x17b: {  	s1 =	rddreg [dreg:$0x10]  }
0x17c: {  	[tilespmem:s16], [sflag:$0x1] =	stream.indirect.gather [hbm4b:s1+s31], $0x1, s2, s31, $0xb8;
	[tilespmem:$0x2400] =	vst v63  }
0x17d: {  	s0 =	rddreg [dreg:$0x11]  }
0x17e: {  	[tilespmem:s17], [sflag:$0x1] =	stream.indirect.gather [hbm4b:s0+s31], $0x1, s2, s31, $0xb8;
	[tilespmem:$0x2400] =	vst v63  }
0x17f: {  	s1 =	rddreg [dreg:$0x12]  }
0x180: {  	[tilespmem:s15], [sflag:$0x1] =	stream.indirect.gather [hbm4b:s1+s31], $0x1, s2, s31, $0xb8;
	[tilespmem:$0x2400] =	vst v63  }
0x181: {  	s0 =	rddreg [dreg:$0x13]  }
0x182: {  	[tilespmem:s14], [sflag:$0x1] =	stream.indirect.gather [hbm4b:s0+s31], $0x1, s2, s31, $0xb8;
	[tilespmem:$0x2400] =	vst v63  }
0x183: {  	s1 =	rddreg [dreg:$0x14]  }
0x184: {  	[tilespmem:s12], [sflag:$0x1] =	stream.indirect.gather [hbm4b:s1+s31], $0x1, s2, s31, $0xb8;
	[tilespmem:$0x2400] =	vst v63  }
0x185: {  	s0 =	rddreg [dreg:$0x15]  }
0x186: {  	[tilespmem:s31], [sflag:$0x3] =	stream.linear.gather [hbm4b:s0+s2], $0x200, $0x38;
	[tilespmem:$0x2400] =	vst v63  }
0x187: {  	_ =	swait.ge [sflag:s30], $0x200  }
0x188: {  	[sflag:s30] =	ssyncset.done $0x0  }
0x189: {  	s1 =	rddreg [dreg:$0x16];
	[sflag:s30] =	ssyncadd.s32 $0xFFFFFE00  }
0x18a: {  	[hbm4b:s1+s2] =	stream.linear.scatter [tilespmem:s31], [sflag:$0x2], $0x200, $0x38;
	[tilespmem:$0x2400] =	vst v63  }
0x18b: {  	_ =	swait.ge [sflag:s13], $0x200  }
0x18c: {  	[sflag:s13] =	ssyncset.done $0x0  }
0x18d: {  	s1 =	rddreg [dreg:$0x17];
	[sflag:s13] =	ssyncadd.s32 $0xFFFFFE00  }
0x18e: {  	[hbm4b:s1+s2] =	stream.linear.scatter [tilespmem:s29], [sflag:$0x2], $0x200, $0x38;
	[tilespmem:$0x2400] =	vst v63  }
0x18f: {  	_ =	swait.ge [sflag:s13], $0x200  }
0x190: {  	[sflag:s13] =	ssyncset.done $0x0  }
0x191: {  	s30 =	rddreg [dreg:$0x18];
	[sflag:s13] =	ssyncadd.s32 $0xFFFFFE00  }
0x192: {  	[hbm4b:s30+s2] =	stream.linear.scatter [tilespmem:s28], [sflag:$0x2], $0x200, $0x38;
	[tilespmem:$0x2400] =	vst v63  }
0x193: {  	_ =	swait.ge [sflag:s13], $0x200  }
0x194: {  	[sflag:s13] =	ssyncset.done $0x0  }
0x195: {  	s31 =	rddreg [dreg:$0x19];
	[sflag:s13] =	ssyncadd.s32 $0xFFFFFE00  }
0x196: {  	[hbm4b:s31+s2] =	stream.linear.scatter [tilespmem:s26], [sflag:$0x2], $0x200, $0x38;
	[tilespmem:$0x2400] =	vst v63  }
0x197: {  	_ =	swait.ge [sflag:s13], $0x200  }
0x198: {  	[sflag:s13] =	ssyncset.done $0x0  }
0x199: {  	s1 =	rddreg [dreg:$0x1a];
	[sflag:s13] =	ssyncadd.s32 $0xFFFFFE00  }
0x19a: {  	[hbm4b:s1+s2] =	stream.linear.scatter [tilespmem:s25], [sflag:$0x2], $0x200, $0x38;
	[tilespmem:$0x2400] =	vst v63  }
0x19b: {  	_ =	swait.ge [sflag:s13], $0x200  }
0x19c: {  	[sflag:s13] =	ssyncset.done $0x0  }
0x19d: {  	s26 =	rddreg [dreg:$0x1b];
	[sflag:s13] =	ssyncadd.s32 $0xFFFFFE00  }
0x19e: {  	[hbm4b:s26+s2] =	stream.linear.scatter [tilespmem:s24], [sflag:$0x2], $0x200, $0x38;
	[tilespmem:$0x2400] =	vst v63  }
0x19f: {  	_ =	swait.ge [sflag:s13], $0x200  }
0x1a0: {  	[sflag:s13] =	ssyncset.done $0x0  }
0x1a1: {  	s28 =	rddreg [dreg:$0x1c];
	[sflag:s13] =	ssyncadd.s32 $0xFFFFFE00  }
0x1a2: {  	[hbm4b:s28+s2] =	stream.linear.scatter [tilespmem:s23], [sflag:$0x2], $0x200, $0x38;
	[tilespmem:$0x2400] =	vst v63  }
0x1a3: {  	_ =	swait.ge [sflag:s13], $0x200  }
0x1a4: {  	[sflag:s13] =	ssyncset.done $0x0  }
0x1a5: {  	s29 =	rddreg [dreg:$0x1d];
	[sflag:s13] =	ssyncadd.s32 $0xFFFFFE00  }
0x1a6: {  	[hbm4b:s29+s2] =	stream.linear.scatter [tilespmem:s22], [sflag:$0x2], $0x200, $0x38;
	[tilespmem:$0x2400] =	vst v63  }
0x1a7: {  	_ =	swait.ge [sflag:s13], $0x200  }
0x1a8: {  	[sflag:s13] =	ssyncset.done $0x0  }
0x1a9: {  	s30 =	rddreg [dreg:$0x1e];
	[sflag:s13] =	ssyncadd.s32 $0xFFFFFE00  }
0x1aa: {  	[hbm4b:s30+s2] =	stream.linear.scatter [tilespmem:s21], [sflag:$0x2], $0x200, $0x38;
	[tilespmem:$0x2400] =	vst v63  }
0x1ab: {  	_ =	swait.ge [sflag:s13], $0x200  }
0x1ac: {  	[sflag:s13] =	ssyncset.done $0x0  }
0x1ad: {  	[sflag:s13] =	ssyncadd.s32 $0xFFFFFE00  }
0x1ae: {  	[hbm4b:s11+s2] =	stream.linear.scatter [tilespmem:s20], [sflag:$0x2], $0x200, $0x38;
	[tilespmem:$0x2400] =	vst v63  }
0x1af: {  	_ =	swait.ge [sflag:s13], $0x200  }
0x1b0: {  	[sflag:s13] =	ssyncset.done $0x0  }
0x1b1: {  	[sflag:s13] =	ssyncadd.s32 $0xFFFFFE00  }
0x1b2: {  	[hbm4b:s10+s2] =	stream.linear.scatter [tilespmem:s19], [sflag:$0x2], $0x200, $0x38;
	[tilespmem:$0x2400] =	vst v63  }
0x1b3: {  	_ =	swait.ge [sflag:s13], $0x200  }
0x1b4: {  	[sflag:s13] =	ssyncset.done $0x0  }
0x1b5: {  	[sflag:s13] =	ssyncadd.s32 $0xFFFFFE00  }
0x1b6: {  	[hbm4b:s9+s2] =	stream.linear.scatter [tilespmem:s18], [sflag:$0x2], $0x200, $0x38;
	[tilespmem:$0x2400] =	vst v63  }
0x1b7: {  	_ =	swait.ge [sflag:s13], $0x200  }
0x1b8: {  	[sflag:s13] =	ssyncset.done $0x0  }
0x1b9: {  	[sflag:s13] =	ssyncadd.s32 $0xFFFFFE00  }
0x1ba: {  	[hbm4b:s8+s2] =	stream.linear.scatter [tilespmem:s16], [sflag:$0x2], $0x200, $0x38;
	[tilespmem:$0x2400] =	vst v63  }
0x1bb: {  	_ =	swait.ge [sflag:s13], $0x200  }
0x1bc: {  	[sflag:s13] =	ssyncset.done $0x0  }
0x1bd: {  	[sflag:s13] =	ssyncadd.s32 $0xFFFFFE00  }
0x1be: {  	[hbm4b:s7+s2] =	stream.linear.scatter [tilespmem:s17], [sflag:$0x2], $0x200, $0x38;
	[tilespmem:$0x2400] =	vst v63  }
0x1bf: {  	_ =	swait.ge [sflag:s13], $0x200  }
0x1c0: {  	[sflag:s13] =	ssyncset.done $0x0  }
0x1c1: {  	[sflag:s13] =	ssyncadd.s32 $0xFFFFFE00  }
0x1c2: {  	[hbm4b:s6+s2] =	stream.linear.scatter [tilespmem:s15], [sflag:$0x2], $0x200, $0x38;
	[tilespmem:$0x2400] =	vst v63  }
0x1c3: {  	_ =	swait.ge [sflag:s13], $0x200  }
0x1c4: {  	[sflag:s13] =	ssyncset.done $0x0  }
0x1c5: {  	[sflag:s13] =	ssyncadd.s32 $0xFFFFFE00  }
0x1c6: {  	[hbm4b:s5+s2] =	stream.linear.scatter [tilespmem:s14], [sflag:$0x2], $0x200, $0x38;
	[tilespmem:$0x2400] =	vst v63  }
0x1c7: {  	_ =	swait.ge [sflag:s13], $0x200  }
0x1c8: {  	[sflag:s13] =	ssyncset.done $0x0  }
0x1c9: {  	[sflag:s13] =	ssyncadd.s32 $0xFFFFFE00  }
0x1ca: {  	[hbm4b:s4+s2] =	stream.linear.scatter [tilespmem:s12], [sflag:$0x2], $0x200, $0x38;
	[tilespmem:$0x2400] =	vst v63  }
0x1cb: {  	_ =	swait.ge [sflag:s3], $0x200  }
0x1cc: {  	[sflag:s3] =	ssyncset.done $0x0  }
0x1cd: {  	[sflag:s3] =	ssyncadd.s32 $0xFFFFFE00  }
0x1ce: {  	_ =	swait.ge [sflag:s3], $0x200  }
0x1cf: {  	[sflag:s3] =	ssyncset.done $0x0  }
0x1d0: {  	[sflag:s3] =	ssyncadd.s32 $0xFFFFFE00  }
0x1d1: {  	_ =	swait.ge [sflag:s3], $0x200  }
0x1d2: {  	[sflag:s3] =	ssyncset.done $0x0  }
0x1d3: {  	[sflag:s3] =	ssyncadd.s32 $0xFFFFFE00  }
0x1d4: {  	_ =	swait.ge [sflag:s3], $0x200  }
0x1d5: {  	[sflag:s3] =	ssyncset.done $0x0  }
0x1d6: {  	[sflag:s3] =	ssyncadd.s32 $0xFFFFFE00  }
0x1d7: {  	_ =	swait.ge [sflag:s3], $0x200  }
0x1d8: {  	[sflag:s3] =	ssyncset.done $0x0  }
0x1d9: {  	[sflag:s3] =	ssyncadd.s32 $0xFFFFFE00  }
0x1da: {  	_ =	swait.ge [sflag:s3], $0x200  }
0x1db: {  	[sflag:s3] =	ssyncset.done $0x0  }
0x1dc: {  	[sflag:s3] =	ssyncadd.s32 $0xFFFFFE00  }
0x1dd: {  	_ =	swait.ge [sflag:s3], $0x200  }
0x1de: {  	[sflag:s3] =	ssyncset.done $0x0  }
0x1df: {  	[sflag:s3] =	ssyncadd.s32 $0xFFFFFE00  }
0x1e0: {  	_ =	swait.ge [sflag:s3], $0x200  }
0x1e1: {  	[sflag:s3] =	ssyncset.done $0x0  }
0x1e2: {  	[sflag:s3] =	ssyncadd.s32 $0xFFFFFE00  }
0x1e3: {  	_ =	swait.ge [sflag:s3], $0x200  }
0x1e4: {  	[sflag:s3] =	ssyncset.done $0x0  }
0x1e5: {  	[sflag:s3] =	ssyncadd.s32 $0xFFFFFE00  }
0x1e6: {  	_ =	swait.ge [sflag:s3], $0x200  }
0x1e7: {  	[sflag:s3] =	ssyncset.done $0x0  }
0x1e8: {  	[sflag:s3] =	ssyncadd.s32 $0xFFFFFE00  }
0x1e9: {  	_ =	swait.ge [sflag:s3], $0x200  }
0x1ea: {  	[sflag:s3] =	ssyncset.done $0x0  }
0x1eb: {  	[sflag:s3] =	ssyncadd.s32 $0xFFFFFE00  }
0x1ec: {  	_ =	swait.ge [sflag:s3], $0x200  }
0x1ed: {  	[sflag:s3] =	ssyncset.done $0x0  }
0x1ee: {  	[sflag:s3] =	ssyncadd.s32 $0xFFFFFE00  }
0x1ef: {  	_ =	swait.ge [sflag:s3], $0x200  }
0x1f0: {  	[sflag:s3] =	ssyncset.done $0x0  }
0x1f1: {  	[sflag:s3] =	ssyncadd.s32 $0xFFFFFE00  }
0x1f2: {  	_ =	swait.ge [sflag:s3], $0x200  }
0x1f3: {  	[sflag:s3] =	ssyncset.done $0x0  }
0x1f4: {  	[sflag:s3] =	ssyncadd.s32 $0xFFFFFE00  }
0x1f5: {  	_ =	swait.ge [sflag:s3], $0x200  }
0x1f6: {  	[sflag:s3] =	ssyncset.done $0x0  }
0x1f7: {  	[sflag:s3] =	ssyncadd.s32 $0xFFFFFE00  }
0x1f8: {  	_ =	swait.ge [sflag:s3], $0x200  }
0x1f9: {  	[sflag:s3] =	ssyncset.done $0x0  }
0x1fa: {  	[sflag:s3] =	ssyncadd.s32 $0xFFFFFE00  }
0x1fb: {  	_ =	swait.ge [sflag:s3], $0x200  }
0x1fc: {  	[sflag:s3] =	ssyncset.done $0x0  }
0x1fd: {  	[sflag:s3] =	ssyncadd.s32 $0xFFFFFE00  }
0x1fe: {  	_ =	sfence.sel $0x180000  }
0x1ff: {  	[bflag:$0x0] =	sbarrier.arrive $0xFFFF  }
0x200: {  	_ =	strace $0x90000047  }
0x201: {  	s31 =	stileid.u32;
	[bflag:$0x2] =	sbarrier.arrive $0xFFFF  }
0x202: {  	p0 =	sne.s32 s31, $0x0;
	s0 =	rddreg [dreg:$0x3]  }
0x203: {  	s0 =	sadd.s32 @!p0 $0x100000, s0  }
0x204: {  	[sflag:s0] =	ssyncadd.tile.s32 @!p0 $0x1;
	_ =	shalt  }
.Lfunc_end2:
_tile_overlayer_lowered:
.L_overlay_start_2:
0x205: {  	(tag) =	ssettag $0x2  }
0x206: {  	s0 =	rddreg [dreg:$0x0];
	s2 =	stileid.u32  }
0x207: {  	s1 =	rddreg [dreg:$0x1];
	p0 =	sne.s32 s2, $0x0  }
0x208: {  	s3 =	rddreg [dreg:$0x2];
	[bflag:$0x3] =	sbarrier.arrive $0xFFFF;
	s2 =	simm.s32 @!p0 $0x1C03  }
0x209: {  	[timem:s3], [sflag:s2] =	dma.local @!p0 [hbm:s0], s1  }
0x20a: {  	s0 =	simm.s32 @!p0 $0x3  }
0x20b: {  	_ =	swait.ge @!p0 [sflag:s0], s1  }
0x20c: {  	s1 =	ssub.s32 @!p0 $0x0, s1;
	[sflag:s0] =	ssyncset.done @!p0 $0x0  }
0x20d: {  	[sflag:s0] =	ssyncadd.s32 @!p0 s1  }
0x20e: {  	[bflag:$0x3] =	sbarrier.arrive $0xFFFF  }
0x20f: {  	_ =	shalt  }

</sc_bundles>
